<compile_context>
chip_gen: v7x
topology: tpu7x:2x2x1
jax: 0.10.2.dev20260603
libtpu: 0.0.44.dev20260713+nightly
codegen_flags: <defaults>
</compile_context>

<pallas_src>
import functools

import jax
import jax.numpy as jnp
from jax import lax
from jax.experimental import pallas as pl
from jax.experimental.pallas import tpu as pltpu
from jax.experimental.pallas import tpu_sc as plsc

RATE = 0.8

_NUM_CORES = 2
_NUM_SUBCORES = 16
_NW = _NUM_CORES * _NUM_SUBCORES

_CHUNK = 64


_RCH = 64


def _prep_body(prow_ref, pcol_ref, w_ref, b_ref, x_ref, fusion_ref, src_ref):
    b = pl.program_id(0)
    pr = prow_ref[0]
    pc_all = pcol_ref[0]
    C = pr.shape[1]
    k_top = int(C * RATE)
    k_low = C - k_top
    src_pad = src_ref.shape[2]
    nch = C // _RCH

    jidx = lax.broadcasted_iota(jnp.int32, (_RCH, C), 1)
    cidx = lax.broadcasted_iota(jnp.int32, (_RCH, C), 0)
    jdiff = jidx - cidx
    rd, ra = [], []
    for i in range(nch):
        pc = pc_all[i * _RCH:(i + 1) * _RCH]
        eq_t = jnp.logical_and(pr == pc, jdiff < i * _RCH)
        d = jnp.sum(jnp.logical_or(pr > pc, eq_t).astype(jnp.int32),
                    axis=1, keepdims=True)
        a = jnp.sum(jnp.logical_or(pr < pc, eq_t).astype(jnp.int32),
                    axis=1, keepdims=True)
        rd.append(d)
        ra.append(a)

    pos = lax.broadcasted_iota(jnp.int32, (_RCH, src_pad), 1)
    chan0 = lax.broadcasted_iota(jnp.int32, (_RCH, src_pad), 0)
    src = jnp.zeros((1, src_pad), jnp.int32)
    for i in range(nch):
        src = src + jnp.sum(jnp.where(rd[i] == pos, chan0 + i * _RCH, 0),
                            axis=0, keepdims=True)
    src_ref[0] = src + b * C

    qidx = lax.broadcasted_iota(jnp.int32, (_RCH, k_low), 1)
    oh_t = jnp.concatenate(
        [(ra[i] == qidx).astype(jnp.float32) for i in range(nch)], axis=0)
    g_t = lax.dot_general(oh_t, w_ref[...], (((1,), (1,)), ((), ())),
                          preferred_element_type=jnp.float32)
    fusion = lax.dot_general(g_t, x_ref[0], (((0,), (0,)), ((), ())),
                             preferred_element_type=jnp.float32)
    fusion_ref[0] = fusion + b_ref[...]


def _asm_body(k_pad, x_hbm, src_hbm, out_hbm, idx_v, buf_v, sem):
    b = lax.axis_index("s") * _NUM_CORES + lax.axis_index("c")
    pltpu.sync_copy(src_hbm.at[b], idx_v)
    row0 = b * k_pad
    n_full, tail = divmod(k_pad, _CHUNK)
    for k in range(n_full + (1 if tail else 0)):
        n = _CHUNK if k < n_full else tail
        pltpu.async_copy(x_hbm.at[idx_v.at[pl.ds(k * _CHUNK, n)]],
                         buf_v.at[pl.ds(0, n)], sem).wait()
        pltpu.sync_copy(buf_v.at[pl.ds(0, n)],
                        out_hbm.at[pl.ds(row0 + k * _CHUNK, n)])


def kernel(x, W_fusion, b_fusion):
    B, C, H, W = x.shape
    HW = H * W
    k_top = int(C * RATE)
    k_low = C - k_top
    src_pad = ((k_top + _NW - 1) // _NW) * _NW

    pooled = jnp.mean(x, axis=(2, 3))
    x3 = x.reshape(B, C, HW)

    fusion, srcg = pl.pallas_call(
        _prep_body,
        grid=(B,),
        in_specs=[
            pl.BlockSpec((1, 1, C), lambda b: (b, 0, 0)),
            pl.BlockSpec((1, C, 1), lambda b: (b, 0, 0)),
            pl.BlockSpec((k_low, k_low), lambda b: (0, 0)),
            pl.BlockSpec((k_low, 1), lambda b: (0, 0)),
            pl.BlockSpec((1, C, HW), lambda b: (b, 0, 0)),
        ],
        out_specs=[
            pl.BlockSpec((1, k_low, HW), lambda b: (b, 0, 0)),
            pl.BlockSpec((1, 1, src_pad), lambda b: (b, 0, 0)),
        ],
        out_shape=[
            jax.ShapeDtypeStruct((B, k_low, HW), jnp.float32),
            jax.ShapeDtypeStruct((B, 1, src_pad), jnp.int32),
        ],
    )(pooled.reshape(B, 1, C), pooled.reshape(B, C, 1), W_fusion,
      b_fusion.reshape(k_low, 1), x3)

    k_pad = -(-k_top // 8) * 8
    asm = pl.kernel(
        functools.partial(_asm_body, k_pad),
        out_type=jax.ShapeDtypeStruct((B * k_pad, HW), jnp.float32),
        mesh=plsc.VectorSubcoreMesh(core_axis_name="c", subcore_axis_name="s"),
        compiler_params=pltpu.CompilerParams(use_tc_tiling_on_sc=False),
        scratch_types=[
            pltpu.VMEM((src_pad,), jnp.int32),
            pltpu.VMEM((_CHUNK, HW), jnp.float32),
            pltpu.SemaphoreType.DMA,
        ],
    )
    out_top = asm(x3.reshape(B * C, HW), srcg.reshape(B, src_pad))
    out = jnp.concatenate(
        [out_top.reshape(B, k_pad, HW)[:, :k_top], fusion], axis=1)
    return out.reshape(B, C, H, W)

# --- scband reference (transcript-rebuilt; emitter-appended) ---
"""Pipeline reference for scband-seblock-57604101374733 (READ-ONLY COPY).

The authoritative reference and input builder live on the scoring server;
editing this copy changes nothing except your own understanding.
"""

import jax, jax.numpy as jnp
import numpy as np

RATE = 0.8

def setup_inputs(seed: int = 0) -> dict:
    key = jax.random.key(seed)
    k1, k2, k3 = jax.random.split(key, 3)
    B, C, H, W = 32, 768, 28, 28
    k_low = C - int(C * RATE)
    x = jax.random.normal(k1, (B, C, H, W), dtype=jnp.float32)
    # fusion 1x1 conv params: torch weight [k_low, k_low, 1, 1] squeezed to [k_low, k_low]
    W_fusion = jax.random.normal(k2, (k_low, k_low), dtype=jnp.float32) * (1.0 / np.sqrt(k_low))
    b_fusion = jax.random.normal(k3, (k_low,), dtype=jnp.float32) * 0.01
    return {"x": x, "W_fusion": W_fusion, "b_fusion": b_fusion}

def reference(x, W_fusion, b_fusion):
    B, C, H, W = x.shape
    k_top = int(C * RATE)
    k_low = C - k_top
    # squeeze: adaptive avg pool to (1,1) -> mean over spatial dims
    pooled = jnp.mean(x, axis=(2, 3))  # [B, C]
    # topk channels (largest) and bottom-k channels (smallest)
    _, top_idx = jax.lax.top_k(pooled, k_top)   # [B, k_top]
    _, low_idx = jax.lax.top_k(-pooled, k_low)  # [B, k_low]
    batch_idx = jnp.arange(B)[:, None]
    # gather low channels and apply 1x1 fusion conv
    x_low = x[batch_idx, low_idx]  # [B, k_low, H, W]
    fusion = jnp.einsum('bchw,oc->bohw', x_low, W_fusion) + b_fusion[None, :, None, None]
    x_top = x[batch_idx, top_idx]  # [B, k_top, H, W]
    out = jnp.concatenate((x_top, fusion), axis=1)  # [B, C, H, W]
    return out

if __name__ == "__main__":
    import jax
    _d = setup_inputs()
    print(jax.jit(kernel)(*tuple(_d.values())))

</pallas_src>

<mosaic_0001>
#map = affine_map<(d0, d1) -> (0, 0)>
module attributes {stable_mosaic.version = 14 : i64} {
  func.func @_asm_body(%arg0: i32, %arg1: i32, %arg2: memref<24576x784xf32, #tpu.memory_space<hbm>>, %arg3: memref<32x640xi32, #tpu.memory_space<hbm>>, %arg4: memref<19712x784xf32, #tpu.memory_space<hbm>>, %arg5: memref<640xi32, #tpu.memory_space<vmem>>, %arg6: memref<64x784xf32, #tpu.memory_space<vmem>>, %arg7: memref<!tpu.dma_semaphore, #tpu.memory_space<semaphore_mem>>) attributes {dimension_semantics = [#tpu.dimension_semantics<core_parallel>, #tpu.dimension_semantics<subcore_parallel>], iteration_bounds = array<i64: 2, 16>, scalar_prefetch = 0 : i64, scratch_operands = 3 : i64, tpu.core_type = #tpu.core_type<sc_vector_subcore>, window_params = [{transform_indices = #map}, {transform_indices = #map}, {transform_indices = #map}]} {
    %mul3A = arith.constant 2 : i32
    %mul3A_0 = arith.muli %arg1, %mul3A : i32
    %add3A = arith.addi %mul3A_0, %arg0 : i32
    "tpu.region"() ({
      %run_scoped3A = tpu.sem_alloc : memref<!tpu.dma_semaphore, #tpu.memory_space<semaphore_mem>>
      %dma_start3A_181 = arith.constant 0 : i32
      %dma_start3A_182 = tpu.memref_slice %arg3[%add3A, %dma_start3A_181] : memref<32x640xi32, #tpu.memory_space<hbm>> -> memref<1x640xi32, #tpu.memory_space<hbm>>
      %dma_start3A_183 = tpu.memref_squeeze %dma_start3A_182 : memref<1x640xi32, #tpu.memory_space<hbm>> -> memref<640xi32, #tpu.memory_space<hbm>>
      %dma_start3A_184 = arith.constant 0 : i32
      %dma_start3A_185 = tpu.memref_slice %arg3[%add3A, %dma_start3A_184] : memref<32x640xi32, #tpu.memory_space<hbm>> -> memref<1x640xi32, #tpu.memory_space<hbm>>
      %dma_start3A_186 = tpu.memref_squeeze %dma_start3A_185 : memref<1x640xi32, #tpu.memory_space<hbm>> -> memref<640xi32, #tpu.memory_space<hbm>>
      tpu.enqueue_dma source(%dma_start3A_186 : memref<640xi32, #tpu.memory_space<hbm>>) target(%arg5 : memref<640xi32, #tpu.memory_space<vmem>>) target_semaphore(%run_scoped3A : memref<!tpu.dma_semaphore, #tpu.memory_space<semaphore_mem>>)
      %dma_wait3A_187 = arith.constant 0 : i32
      %dma_wait3A_188 = tpu.memref_slice %arg3[%add3A, %dma_wait3A_187] : memref<32x640xi32, #tpu.memory_space<hbm>> -> memref<1x640xi32, #tpu.memory_space<hbm>>
      %dma_wait3A_189 = tpu.memref_squeeze %dma_wait3A_188 : memref<1x640xi32, #tpu.memory_space<hbm>> -> memref<640xi32, #tpu.memory_space<hbm>>
      %dma_wait3A_190 = arith.constant 0 : i32
      %dma_wait3A_191 = tpu.memref_slice %arg3[%add3A, %dma_wait3A_190] : memref<32x640xi32, #tpu.memory_space<hbm>> -> memref<1x640xi32, #tpu.memory_space<hbm>>
      %dma_wait3A_192 = tpu.memref_squeeze %dma_wait3A_191 : memref<1x640xi32, #tpu.memory_space<hbm>> -> memref<640xi32, #tpu.memory_space<hbm>>
      tpu.wait_dma2 semaphore(%run_scoped3A : memref<!tpu.dma_semaphore, #tpu.memory_space<semaphore_mem>>) src(%dma_wait3A_192 : memref<640xi32, #tpu.memory_space<hbm>>) dst(%arg5 : memref<640xi32, #tpu.memory_space<vmem>>)
      tpu.yield
    }) : () -> ()
    %mul3A_1 = arith.constant 616 : i32
    %mul3A_2 = arith.muli %add3A, %mul3A_1 : i32
    %dma_start3A = arith.constant 0 : i32
    %dma_start3A_3 = arith.constant 0 : i32
    %dma_start3A_4 = tpu.memref_slice %arg6[%dma_start3A, %dma_start3A_3] : memref<64x784xf32, #tpu.memory_space<vmem>> -> memref<64x784xf32, #tpu.memory_space<vmem>>
    %dma_start3A_5 = arith.constant 0 : i32
    %dma_start3A_6 = tpu.memref_slice %arg5[%dma_start3A_5] : memref<640xi32, #tpu.memory_space<vmem>> -> memref<64xi32, #tpu.memory_space<vmem>>
    %dma_start3A_7 = arith.constant 0 : i32
    %dma_start3A_8 = arith.constant 0 : i32
    %dma_start3A_9 = tpu.memref_slice %arg2[%dma_start3A_7, %dma_start3A_8] : memref<24576x784xf32, #tpu.memory_space<hbm>> -> memref<24576x784xf32, #tpu.memory_space<hbm>>
    tpu.enqueue_indirect_dma source(%dma_start3A_9 : memref<24576x784xf32, #tpu.memory_space<hbm>>) target(%dma_start3A_4 : memref<64x784xf32, #tpu.memory_space<vmem>>) offsets(%dma_start3A_6 : memref<64xi32, #tpu.memory_space<vmem>>) semaphore(%arg7 : memref<!tpu.dma_semaphore, #tpu.memory_space<semaphore_mem>>)
    %dma_wait3A = arith.constant 0 : i32
    %dma_wait3A_10 = arith.constant 0 : i32
    %dma_wait3A_11 = tpu.memref_slice %arg6[%dma_wait3A, %dma_wait3A_10] : memref<64x784xf32, #tpu.memory_space<vmem>> -> memref<64x784xf32, #tpu.memory_space<vmem>>
    %dma_wait3A_12 = arith.constant 0 : i32
    %dma_wait3A_13 = tpu.memref_slice %arg5[%dma_wait3A_12] : memref<640xi32, #tpu.memory_space<vmem>> -> memref<64xi32, #tpu.memory_space<vmem>>
    %dma_wait3A_14 = arith.constant 0 : i32
    %dma_wait3A_15 = arith.constant 0 : i32
    %dma_wait3A_16 = tpu.memref_slice %arg2[%dma_wait3A_14, %dma_wait3A_15] : memref<24576x784xf32, #tpu.memory_space<hbm>> -> memref<24576x784xf32, #tpu.memory_space<hbm>>
    tpu.wait_indirect_dma semaphore(%arg7 : memref<!tpu.dma_semaphore, #tpu.memory_space<semaphore_mem>>) src(%dma_wait3A_16 : memref<24576x784xf32, #tpu.memory_space<hbm>>) dst(%dma_wait3A_11 : memref<64x784xf32, #tpu.memory_space<vmem>>)
    %add3A_17 = arith.constant 0 : i32
    %add3A_18 = arith.addi %mul3A_2, %add3A_17 : i32
    "tpu.region"() ({
      %run_scoped3A = tpu.sem_alloc : memref<!tpu.dma_semaphore, #tpu.memory_space<semaphore_mem>>
      %dma_start3A_181 = arith.constant 0 : i32
      %dma_start3A_182 = arith.constant 0 : i32
      %dma_start3A_183 = tpu.memref_slice %arg6[%dma_start3A_181, %dma_start3A_182] : memref<64x784xf32, #tpu.memory_space<vmem>> -> memref<64x784xf32, #tpu.memory_space<vmem>>
      %dma_start3A_184 = arith.constant 0 : i32
      %dma_start3A_185 = tpu.memref_slice %arg4[%add3A_18, %dma_start3A_184] : memref<19712x784xf32, #tpu.memory_space<hbm>> -> memref<64x784xf32, #tpu.memory_space<hbm>>
      %dma_start3A_186 = arith.constant 0 : i32
      %dma_start3A_187 = tpu.memref_slice %arg4[%add3A_18, %dma_start3A_186] : memref<19712x784xf32, #tpu.memory_space<hbm>> -> memref<64x784xf32, #tpu.memory_space<hbm>>
      %dma_start3A_188 = arith.constant 0 : i32
      %dma_start3A_189 = arith.constant 0 : i32
      %dma_start3A_190 = tpu.memref_slice %arg6[%dma_start3A_188, %dma_start3A_189] : memref<64x784xf32, #tpu.memory_space<vmem>> -> memref<64x784xf32, #tpu.memory_space<vmem>>
      tpu.enqueue_dma source(%dma_start3A_190 : memref<64x784xf32, #tpu.memory_space<vmem>>) target(%dma_start3A_187 : memref<64x784xf32, #tpu.memory_space<hbm>>) target_semaphore(%run_scoped3A : memref<!tpu.dma_semaphore, #tpu.memory_space<semaphore_mem>>)
      %dma_wait3A_191 = arith.constant 0 : i32
      %dma_wait3A_192 = arith.constant 0 : i32
      %dma_wait3A_193 = tpu.memref_slice %arg6[%dma_wait3A_191, %dma_wait3A_192] : memref<64x784xf32, #tpu.memory_space<vmem>> -> memref<64x784xf32, #tpu.memory_space<vmem>>
      %dma_wait3A_194 = arith.constant 0 : i32
      %dma_wait3A_195 = tpu.memref_slice %arg4[%add3A_18, %dma_wait3A_194] : memref<19712x784xf32, #tpu.memory_space<hbm>> -> memref<64x784xf32, #tpu.memory_space<hbm>>
      %dma_wait3A_196 = arith.constant 0 : i32
      %dma_wait3A_197 = tpu.memref_slice %arg4[%add3A_18, %dma_wait3A_196] : memref<19712x784xf32, #tpu.memory_space<hbm>> -> memref<64x784xf32, #tpu.memory_space<hbm>>
      %dma_wait3A_198 = arith.constant 0 : i32
      %dma_wait3A_199 = arith.constant 0 : i32
      %dma_wait3A_200 = tpu.memref_slice %arg6[%dma_wait3A_198, %dma_wait3A_199] : memref<64x784xf32, #tpu.memory_space<vmem>> -> memref<64x784xf32, #tpu.memory_space<vmem>>
      tpu.wait_dma2 semaphore(%run_scoped3A : memref<!tpu.dma_semaphore, #tpu.memory_space<semaphore_mem>>) src(%dma_wait3A_200 : memref<64x784xf32, #tpu.memory_space<vmem>>) dst(%dma_wait3A_197 : memref<64x784xf32, #tpu.memory_space<hbm>>)
      tpu.yield
    }) : () -> ()
    %dma_start3A_19 = arith.constant 0 : i32
    %dma_start3A_20 = arith.constant 0 : i32
    %dma_start3A_21 = tpu.memref_slice %arg6[%dma_start3A_19, %dma_start3A_20] : memref<64x784xf32, #tpu.memory_space<vmem>> -> memref<64x784xf32, #tpu.memory_space<vmem>>
    %dma_start3A_22 = arith.constant 64 : i32
    %dma_start3A_23 = tpu.memref_slice %arg5[%dma_start3A_22] : memref<640xi32, #tpu.memory_space<vmem>> -> memref<64xi32, #tpu.memory_space<vmem>>
    %dma_start3A_24 = arith.constant 0 : i32
    %dma_start3A_25 = arith.constant 0 : i32
    %dma_start3A_26 = tpu.memref_slice %arg2[%dma_start3A_24, %dma_start3A_25] : memref<24576x784xf32, #tpu.memory_space<hbm>> -> memref<24576x784xf32, #tpu.memory_space<hbm>>
    tpu.enqueue_indirect_dma source(%dma_start3A_26 : memref<24576x784xf32, #tpu.memory_space<hbm>>) target(%dma_start3A_21 : memref<64x784xf32, #tpu.memory_space<vmem>>) offsets(%dma_start3A_23 : memref<64xi32, #tpu.memory_space<vmem>>) semaphore(%arg7 : memref<!tpu.dma_semaphore, #tpu.memory_space<semaphore_mem>>)
    %dma_wait3A_27 = arith.constant 0 : i32
    %dma_wait3A_28 = arith.constant 0 : i32
    %dma_wait3A_29 = tpu.memref_slice %arg6[%dma_wait3A_27, %dma_wait3A_28] : memref<64x784xf32, #tpu.memory_space<vmem>> -> memref<64x784xf32, #tpu.memory_space<vmem>>
    %dma_wait3A_30 = arith.constant 64 : i32
    %dma_wait3A_31 = tpu.memref_slice %arg5[%dma_wait3A_30] : memref<640xi32, #tpu.memory_space<vmem>> -> memref<64xi32, #tpu.memory_space<vmem>>
    %dma_wait3A_32 = arith.constant 0 : i32
    %dma_wait3A_33 = arith.constant 0 : i32
    %dma_wait3A_34 = tpu.memref_slice %arg2[%dma_wait3A_32, %dma_wait3A_33] : memref<24576x784xf32, #tpu.memory_space<hbm>> -> memref<24576x784xf32, #tpu.memory_space<hbm>>
    tpu.wait_indirect_dma semaphore(%arg7 : memref<!tpu.dma_semaphore, #tpu.memory_space<semaphore_mem>>) src(%dma_wait3A_34 : memref<24576x784xf32, #tpu.memory_space<hbm>>) dst(%dma_wait3A_29 : memref<64x784xf32, #tpu.memory_space<vmem>>)
    %add3A_35 = arith.constant 64 : i32
    %add3A_36 = arith.addi %mul3A_2, %add3A_35 : i32
    "tpu.region"() ({
      %run_scoped3A = tpu.sem_alloc : memref<!tpu.dma_semaphore, #tpu.memory_space<semaphore_mem>>
      %dma_start3A_181 = arith.constant 0 : i32
      %dma_start3A_182 = arith.constant 0 : i32
      %dma_start3A_183 = tpu.memref_slice %arg6[%dma_start3A_181, %dma_start3A_182] : memref<64x784xf32, #tpu.memory_space<vmem>> -> memref<64x784xf32, #tpu.memory_space<vmem>>
      %dma_start3A_184 = arith.constant 0 : i32
      %dma_start3A_185 = tpu.memref_slice %arg4[%add3A_36, %dma_start3A_184] : memref<19712x784xf32, #tpu.memory_space<hbm>> -> memref<64x784xf32, #tpu.memory_space<hbm>>
      %dma_start3A_186 = arith.constant 0 : i32
      %dma_start3A_187 = tpu.memref_slice %arg4[%add3A_36, %dma_start3A_186] : memref<19712x784xf32, #tpu.memory_space<hbm>> -> memref<64x784xf32, #tpu.memory_space<hbm>>
      %dma_start3A_188 = arith.constant 0 : i32
      %dma_start3A_189 = arith.constant 0 : i32
      %dma_start3A_190 = tpu.memref_slice %arg6[%dma_start3A_188, %dma_start3A_189] : memref<64x784xf32, #tpu.memory_space<vmem>> -> memref<64x784xf32, #tpu.memory_space<vmem>>
      tpu.enqueue_dma source(%dma_start3A_190 : memref<64x784xf32, #tpu.memory_space<vmem>>) target(%dma_start3A_187 : memref<64x784xf32, #tpu.memory_space<hbm>>) target_semaphore(%run_scoped3A : memref<!tpu.dma_semaphore, #tpu.memory_space<semaphore_mem>>)
      %dma_wait3A_191 = arith.constant 0 : i32
      %dma_wait3A_192 = arith.constant 0 : i32
      %dma_wait3A_193 = tpu.memref_slice %arg6[%dma_wait3A_191, %dma_wait3A_192] : memref<64x784xf32, #tpu.memory_space<vmem>> -> memref<64x784xf32, #tpu.memory_space<vmem>>
      %dma_wait3A_194 = arith.constant 0 : i32
      %dma_wait3A_195 = tpu.memref_slice %arg4[%add3A_36, %dma_wait3A_194] : memref<19712x784xf32, #tpu.memory_space<hbm>> -> memref<64x784xf32, #tpu.memory_space<hbm>>
      %dma_wait3A_196 = arith.constant 0 : i32
      %dma_wait3A_197 = tpu.memref_slice %arg4[%add3A_36, %dma_wait3A_196] : memref<19712x784xf32, #tpu.memory_space<hbm>> -> memref<64x784xf32, #tpu.memory_space<hbm>>
      %dma_wait3A_198 = arith.constant 0 : i32
      %dma_wait3A_199 = arith.constant 0 : i32
      %dma_wait3A_200 = tpu.memref_slice %arg6[%dma_wait3A_198, %dma_wait3A_199] : memref<64x784xf32, #tpu.memory_space<vmem>> -> memref<64x784xf32, #tpu.memory_space<vmem>>
      tpu.wait_dma2 semaphore(%run_scoped3A : memref<!tpu.dma_semaphore, #tpu.memory_space<semaphore_mem>>) src(%dma_wait3A_200 : memref<64x784xf32, #tpu.memory_space<vmem>>) dst(%dma_wait3A_197 : memref<64x784xf32, #tpu.memory_space<hbm>>)
      tpu.yield
    }) : () -> ()
    %dma_start3A_37 = arith.constant 0 : i32
    %dma_start3A_38 = arith.constant 0 : i32
    %dma_start3A_39 = tpu.memref_slice %arg6[%dma_start3A_37, %dma_start3A_38] : memref<64x784xf32, #tpu.memory_space<vmem>> -> memref<64x784xf32, #tpu.memory_space<vmem>>
    %dma_start3A_40 = arith.constant 128 : i32
    %dma_start3A_41 = tpu.memref_slice %arg5[%dma_start3A_40] : memref<640xi32, #tpu.memory_space<vmem>> -> memref<64xi32, #tpu.memory_space<vmem>>
    %dma_start3A_42 = arith.constant 0 : i32
    %dma_start3A_43 = arith.constant 0 : i32
    %dma_start3A_44 = tpu.memref_slice %arg2[%dma_start3A_42, %dma_start3A_43] : memref<24576x784xf32, #tpu.memory_space<hbm>> -> memref<24576x784xf32, #tpu.memory_space<hbm>>
    tpu.enqueue_indirect_dma source(%dma_start3A_44 : memref<24576x784xf32, #tpu.memory_space<hbm>>) target(%dma_start3A_39 : memref<64x784xf32, #tpu.memory_space<vmem>>) offsets(%dma_start3A_41 : memref<64xi32, #tpu.memory_space<vmem>>) semaphore(%arg7 : memref<!tpu.dma_semaphore, #tpu.memory_space<semaphore_mem>>)
    %dma_wait3A_45 = arith.constant 0 : i32
    %dma_wait3A_46 = arith.constant 0 : i32
    %dma_wait3A_47 = tpu.memref_slice %arg6[%dma_wait3A_45, %dma_wait3A_46] : memref<64x784xf32, #tpu.memory_space<vmem>> -> memref<64x784xf32, #tpu.memory_space<vmem>>
    %dma_wait3A_48 = arith.constant 128 : i32
    %dma_wait3A_49 = tpu.memref_slice %arg5[%dma_wait3A_48] : memref<640xi32, #tpu.memory_space<vmem>> -> memref<64xi32, #tpu.memory_space<vmem>>
    %dma_wait3A_50 = arith.constant 0 : i32
    %dma_wait3A_51 = arith.constant 0 : i32
    %dma_wait3A_52 = tpu.memref_slice %arg2[%dma_wait3A_50, %dma_wait3A_51] : memref<24576x784xf32, #tpu.memory_space<hbm>> -> memref<24576x784xf32, #tpu.memory_space<hbm>>
    tpu.wait_indirect_dma semaphore(%arg7 : memref<!tpu.dma_semaphore, #tpu.memory_space<semaphore_mem>>) src(%dma_wait3A_52 : memref<24576x784xf32, #tpu.memory_space<hbm>>) dst(%dma_wait3A_47 : memref<64x784xf32, #tpu.memory_space<vmem>>)
    %add3A_53 = arith.constant 128 : i32
    %add3A_54 = arith.addi %mul3A_2, %add3A_53 : i32
    "tpu.region"() ({
      %run_scoped3A = tpu.sem_alloc : memref<!tpu.dma_semaphore, #tpu.memory_space<semaphore_mem>>
      %dma_start3A_181 = arith.constant 0 : i32
      %dma_start3A_182 = arith.constant 0 : i32
      %dma_start3A_183 = tpu.memref_slice %arg6[%dma_start3A_181, %dma_start3A_182] : memref<64x784xf32, #tpu.memory_space<vmem>> -> memref<64x784xf32, #tpu.memory_space<vmem>>
      %dma_start3A_184 = arith.constant 0 : i32
      %dma_start3A_185 = tpu.memref_slice %arg4[%add3A_54, %dma_start3A_184] : memref<19712x784xf32, #tpu.memory_space<hbm>> -> memref<64x784xf32, #tpu.memory_space<hbm>>
      %dma_start3A_186 = arith.constant 0 : i32
      %dma_start3A_187 = tpu.memref_slice %arg4[%add3A_54, %dma_start3A_186] : memref<19712x784xf32, #tpu.memory_space<hbm>> -> memref<64x784xf32, #tpu.memory_space<hbm>>
      %dma_start3A_188 = arith.constant 0 : i32
      %dma_start3A_189 = arith.constant 0 : i32
      %dma_start3A_190 = tpu.memref_slice %arg6[%dma_start3A_188, %dma_start3A_189] : memref<64x784xf32, #tpu.memory_space<vmem>> -> memref<64x784xf32, #tpu.memory_space<vmem>>
      tpu.enqueue_dma source(%dma_start3A_190 : memref<64x784xf32, #tpu.memory_space<vmem>>) target(%dma_start3A_187 : memref<64x784xf32, #tpu.memory_space<hbm>>) target_semaphore(%run_scoped3A : memref<!tpu.dma_semaphore, #tpu.memory_space<semaphore_mem>>)
      %dma_wait3A_191 = arith.constant 0 : i32
      %dma_wait3A_192 = arith.constant 0 : i32
      %dma_wait3A_193 = tpu.memref_slice %arg6[%dma_wait3A_191, %dma_wait3A_192] : memref<64x784xf32, #tpu.memory_space<vmem>> -> memref<64x784xf32, #tpu.memory_space<vmem>>
      %dma_wait3A_194 = arith.constant 0 : i32
      %dma_wait3A_195 = tpu.memref_slice %arg4[%add3A_54, %dma_wait3A_194] : memref<19712x784xf32, #tpu.memory_space<hbm>> -> memref<64x784xf32, #tpu.memory_space<hbm>>
      %dma_wait3A_196 = arith.constant 0 : i32
      %dma_wait3A_197 = tpu.memref_slice %arg4[%add3A_54, %dma_wait3A_196] : memref<19712x784xf32, #tpu.memory_space<hbm>> -> memref<64x784xf32, #tpu.memory_space<hbm>>
      %dma_wait3A_198 = arith.constant 0 : i32
      %dma_wait3A_199 = arith.constant 0 : i32
      %dma_wait3A_200 = tpu.memref_slice %arg6[%dma_wait3A_198, %dma_wait3A_199] : memref<64x784xf32, #tpu.memory_space<vmem>> -> memref<64x784xf32, #tpu.memory_space<vmem>>
      tpu.wait_dma2 semaphore(%run_scoped3A : memref<!tpu.dma_semaphore, #tpu.memory_space<semaphore_mem>>) src(%dma_wait3A_200 : memref<64x784xf32, #tpu.memory_space<vmem>>) dst(%dma_wait3A_197 : memref<64x784xf32, #tpu.memory_space<hbm>>)
      tpu.yield
    }) : () -> ()
    %dma_start3A_55 = arith.constant 0 : i32
    %dma_start3A_56 = arith.constant 0 : i32
    %dma_start3A_57 = tpu.memref_slice %arg6[%dma_start3A_55, %dma_start3A_56] : memref<64x784xf32, #tpu.memory_space<vmem>> -> memref<64x784xf32, #tpu.memory_space<vmem>>
    %dma_start3A_58 = arith.constant 192 : i32
    %dma_start3A_59 = tpu.memref_slice %arg5[%dma_start3A_58] : memref<640xi32, #tpu.memory_space<vmem>> -> memref<64xi32, #tpu.memory_space<vmem>>
    %dma_start3A_60 = arith.constant 0 : i32
    %dma_start3A_61 = arith.constant 0 : i32
    %dma_start3A_62 = tpu.memref_slice %arg2[%dma_start3A_60, %dma_start3A_61] : memref<24576x784xf32, #tpu.memory_space<hbm>> -> memref<24576x784xf32, #tpu.memory_space<hbm>>
    tpu.enqueue_indirect_dma source(%dma_start3A_62 : memref<24576x784xf32, #tpu.memory_space<hbm>>) target(%dma_start3A_57 : memref<64x784xf32, #tpu.memory_space<vmem>>) offsets(%dma_start3A_59 : memref<64xi32, #tpu.memory_space<vmem>>) semaphore(%arg7 : memref<!tpu.dma_semaphore, #tpu.memory_space<semaphore_mem>>)
    %dma_wait3A_63 = arith.constant 0 : i32
    %dma_wait3A_64 = arith.constant 0 : i32
    %dma_wait3A_65 = tpu.memref_slice %arg6[%dma_wait3A_63, %dma_wait3A_64] : memref<64x784xf32, #tpu.memory_space<vmem>> -> memref<64x784xf32, #tpu.memory_space<vmem>>
    %dma_wait3A_66 = arith.constant 192 : i32
    %dma_wait3A_67 = tpu.memref_slice %arg5[%dma_wait3A_66] : memref<640xi32, #tpu.memory_space<vmem>> -> memref<64xi32, #tpu.memory_space<vmem>>
    %dma_wait3A_68 = arith.constant 0 : i32
    %dma_wait3A_69 = arith.constant 0 : i32
    %dma_wait3A_70 = tpu.memref_slice %arg2[%dma_wait3A_68, %dma_wait3A_69] : memref<24576x784xf32, #tpu.memory_space<hbm>> -> memref<24576x784xf32, #tpu.memory_space<hbm>>
    tpu.wait_indirect_dma semaphore(%arg7 : memref<!tpu.dma_semaphore, #tpu.memory_space<semaphore_mem>>) src(%dma_wait3A_70 : memref<24576x784xf32, #tpu.memory_space<hbm>>) dst(%dma_wait3A_65 : memref<64x784xf32, #tpu.memory_space<vmem>>)
    %add3A_71 = arith.constant 192 : i32
    %add3A_72 = arith.addi %mul3A_2, %add3A_71 : i32
    "tpu.region"() ({
      %run_scoped3A = tpu.sem_alloc : memref<!tpu.dma_semaphore, #tpu.memory_space<semaphore_mem>>
      %dma_start3A_181 = arith.constant 0 : i32
      %dma_start3A_182 = arith.constant 0 : i32
      %dma_start3A_183 = tpu.memref_slice %arg6[%dma_start3A_181, %dma_start3A_182] : memref<64x784xf32, #tpu.memory_space<vmem>> -> memref<64x784xf32, #tpu.memory_space<vmem>>
      %dma_start3A_184 = arith.constant 0 : i32
      %dma_start3A_185 = tpu.memref_slice %arg4[%add3A_72, %dma_start3A_184] : memref<19712x784xf32, #tpu.memory_space<hbm>> -> memref<64x784xf32, #tpu.memory_space<hbm>>
      %dma_start3A_186 = arith.constant 0 : i32
      %dma_start3A_187 = tpu.memref_slice %arg4[%add3A_72, %dma_start3A_186] : memref<19712x784xf32, #tpu.memory_space<hbm>> -> memref<64x784xf32, #tpu.memory_space<hbm>>
      %dma_start3A_188 = arith.constant 0 : i32
      %dma_start3A_189 = arith.constant 0 : i32
      %dma_start3A_190 = tpu.memref_slice %arg6[%dma_start3A_188, %dma_start3A_189] : memref<64x784xf32, #tpu.memory_space<vmem>> -> memref<64x784xf32, #tpu.memory_space<vmem>>
      tpu.enqueue_dma source(%dma_start3A_190 : memref<64x784xf32, #tpu.memory_space<vmem>>) target(%dma_start3A_187 : memref<64x784xf32, #tpu.memory_space<hbm>>) target_semaphore(%run_scoped3A : memref<!tpu.dma_semaphore, #tpu.memory_space<semaphore_mem>>)
      %dma_wait3A_191 = arith.constant 0 : i32
      %dma_wait3A_192 = arith.constant 0 : i32
      %dma_wait3A_193 = tpu.memref_slice %arg6[%dma_wait3A_191, %dma_wait3A_192] : memref<64x784xf32, #tpu.memory_space<vmem>> -> memref<64x784xf32, #tpu.memory_space<vmem>>
      %dma_wait3A_194 = arith.constant 0 : i32
      %dma_wait3A_195 = tpu.memref_slice %arg4[%add3A_72, %dma_wait3A_194] : memref<19712x784xf32, #tpu.memory_space<hbm>> -> memref<64x784xf32, #tpu.memory_space<hbm>>
      %dma_wait3A_196 = arith.constant 0 : i32
      %dma_wait3A_197 = tpu.memref_slice %arg4[%add3A_72, %dma_wait3A_196] : memref<19712x784xf32, #tpu.memory_space<hbm>> -> memref<64x784xf32, #tpu.memory_space<hbm>>
      %dma_wait3A_198 = arith.constant 0 : i32
      %dma_wait3A_199 = arith.constant 0 : i32
      %dma_wait3A_200 = tpu.memref_slice %arg6[%dma_wait3A_198, %dma_wait3A_199] : memref<64x784xf32, #tpu.memory_space<vmem>> -> memref<64x784xf32, #tpu.memory_space<vmem>>
      tpu.wait_dma2 semaphore(%run_scoped3A : memref<!tpu.dma_semaphore, #tpu.memory_space<semaphore_mem>>) src(%dma_wait3A_200 : memref<64x784xf32, #tpu.memory_space<vmem>>) dst(%dma_wait3A_197 : memref<64x784xf32, #tpu.memory_space<hbm>>)
      tpu.yield
    }) : () -> ()
    %dma_start3A_73 = arith.constant 0 : i32
    %dma_start3A_74 = arith.constant 0 : i32
    %dma_start3A_75 = tpu.memref_slice %arg6[%dma_start3A_73, %dma_start3A_74] : memref<64x784xf32, #tpu.memory_space<vmem>> -> memref<64x784xf32, #tpu.memory_space<vmem>>
    %dma_start3A_76 = arith.constant 256 : i32
    %dma_start3A_77 = tpu.memref_slice %arg5[%dma_start3A_76] : memref<640xi32, #tpu.memory_space<vmem>> -> memref<64xi32, #tpu.memory_space<vmem>>
    %dma_start3A_78 = arith.constant 0 : i32
    %dma_start3A_79 = arith.constant 0 : i32
    %dma_start3A_80 = tpu.memref_slice %arg2[%dma_start3A_78, %dma_start3A_79] : memref<24576x784xf32, #tpu.memory_space<hbm>> -> memref<24576x784xf32, #tpu.memory_space<hbm>>
    tpu.enqueue_indirect_dma source(%dma_start3A_80 : memref<24576x784xf32, #tpu.memory_space<hbm>>) target(%dma_start3A_75 : memref<64x784xf32, #tpu.memory_space<vmem>>) offsets(%dma_start3A_77 : memref<64xi32, #tpu.memory_space<vmem>>) semaphore(%arg7 : memref<!tpu.dma_semaphore, #tpu.memory_space<semaphore_mem>>)
    %dma_wait3A_81 = arith.constant 0 : i32
    %dma_wait3A_82 = arith.constant 0 : i32
    %dma_wait3A_83 = tpu.memref_slice %arg6[%dma_wait3A_81, %dma_wait3A_82] : memref<64x784xf32, #tpu.memory_space<vmem>> -> memref<64x784xf32, #tpu.memory_space<vmem>>
    %dma_wait3A_84 = arith.constant 256 : i32
    %dma_wait3A_85 = tpu.memref_slice %arg5[%dma_wait3A_84] : memref<640xi32, #tpu.memory_space<vmem>> -> memref<64xi32, #tpu.memory_space<vmem>>
    %dma_wait3A_86 = arith.constant 0 : i32
    %dma_wait3A_87 = arith.constant 0 : i32
    %dma_wait3A_88 = tpu.memref_slice %arg2[%dma_wait3A_86, %dma_wait3A_87] : memref<24576x784xf32, #tpu.memory_space<hbm>> -> memref<24576x784xf32, #tpu.memory_space<hbm>>
    tpu.wait_indirect_dma semaphore(%arg7 : memref<!tpu.dma_semaphore, #tpu.memory_space<semaphore_mem>>) src(%dma_wait3A_88 : memref<24576x784xf32, #tpu.memory_space<hbm>>) dst(%dma_wait3A_83 : memref<64x784xf32, #tpu.memory_space<vmem>>)
    %add3A_89 = arith.constant 256 : i32
    %add3A_90 = arith.addi %mul3A_2, %add3A_89 : i32
    "tpu.region"() ({
      %run_scoped3A = tpu.sem_alloc : memref<!tpu.dma_semaphore, #tpu.memory_space<semaphore_mem>>
      %dma_start3A_181 = arith.constant 0 : i32
      %dma_start3A_182 = arith.constant 0 : i32
      %dma_start3A_183 = tpu.memref_slice %arg6[%dma_start3A_181, %dma_start3A_182] : memref<64x784xf32, #tpu.memory_space<vmem>> -> memref<64x784xf32, #tpu.memory_space<vmem>>
      %dma_start3A_184 = arith.constant 0 : i32
      %dma_start3A_185 = tpu.memref_slice %arg4[%add3A_90, %dma_start3A_184] : memref<19712x784xf32, #tpu.memory_space<hbm>> -> memref<64x784xf32, #tpu.memory_space<hbm>>
      %dma_start3A_186 = arith.constant 0 : i32
      %dma_start3A_187 = tpu.memref_slice %arg4[%add3A_90, %dma_start3A_186] : memref<19712x784xf32, #tpu.memory_space<hbm>> -> memref<64x784xf32, #tpu.memory_space<hbm>>
      %dma_start3A_188 = arith.constant 0 : i32
      %dma_start3A_189 = arith.constant 0 : i32
      %dma_start3A_190 = tpu.memref_slice %arg6[%dma_start3A_188, %dma_start3A_189] : memref<64x784xf32, #tpu.memory_space<vmem>> -> memref<64x784xf32, #tpu.memory_space<vmem>>
      tpu.enqueue_dma source(%dma_start3A_190 : memref<64x784xf32, #tpu.memory_space<vmem>>) target(%dma_start3A_187 : memref<64x784xf32, #tpu.memory_space<hbm>>) target_semaphore(%run_scoped3A : memref<!tpu.dma_semaphore, #tpu.memory_space<semaphore_mem>>)
      %dma_wait3A_191 = arith.constant 0 : i32
      %dma_wait3A_192 = arith.constant 0 : i32
      %dma_wait3A_193 = tpu.memref_slice %arg6[%dma_wait3A_191, %dma_wait3A_192] : memref<64x784xf32, #tpu.memory_space<vmem>> -> memref<64x784xf32, #tpu.memory_space<vmem>>
      %dma_wait3A_194 = arith.constant 0 : i32
      %dma_wait3A_195 = tpu.memref_slice %arg4[%add3A_90, %dma_wait3A_194] : memref<19712x784xf32, #tpu.memory_space<hbm>> -> memref<64x784xf32, #tpu.memory_space<hbm>>
      %dma_wait3A_196 = arith.constant 0 : i32
      %dma_wait3A_197 = tpu.memref_slice %arg4[%add3A_90, %dma_wait3A_196] : memref<19712x784xf32, #tpu.memory_space<hbm>> -> memref<64x784xf32, #tpu.memory_space<hbm>>
      %dma_wait3A_198 = arith.constant 0 : i32
      %dma_wait3A_199 = arith.constant 0 : i32
      %dma_wait3A_200 = tpu.memref_slice %arg6[%dma_wait3A_198, %dma_wait3A_199] : memref<64x784xf32, #tpu.memory_space<vmem>> -> memref<64x784xf32, #tpu.memory_space<vmem>>
      tpu.wait_dma2 semaphore(%run_scoped3A : memref<!tpu.dma_semaphore, #tpu.memory_space<semaphore_mem>>) src(%dma_wait3A_200 : memref<64x784xf32, #tpu.memory_space<vmem>>) dst(%dma_wait3A_197 : memref<64x784xf32, #tpu.memory_space<hbm>>)
      tpu.yield
    }) : () -> ()
    %dma_start3A_91 = arith.constant 0 : i32
    %dma_start3A_92 = arith.constant 0 : i32
    %dma_start3A_93 = tpu.memref_slice %arg6[%dma_start3A_91, %dma_start3A_92] : memref<64x784xf32, #tpu.memory_space<vmem>> -> memref<64x784xf32, #tpu.memory_space<vmem>>
    %dma_start3A_94 = arith.constant 320 : i32
    %dma_start3A_95 = tpu.memref_slice %arg5[%dma_start3A_94] : memref<640xi32, #tpu.memory_space<vmem>> -> memref<64xi32, #tpu.memory_space<vmem>>
    %dma_start3A_96 = arith.constant 0 : i32
    %dma_start3A_97 = arith.constant 0 : i32
    %dma_start3A_98 = tpu.memref_slice %arg2[%dma_start3A_96, %dma_start3A_97] : memref<24576x784xf32, #tpu.memory_space<hbm>> -> memref<24576x784xf32, #tpu.memory_space<hbm>>
    tpu.enqueue_indirect_dma source(%dma_start3A_98 : memref<24576x784xf32, #tpu.memory_space<hbm>>) target(%dma_start3A_93 : memref<64x784xf32, #tpu.memory_space<vmem>>) offsets(%dma_start3A_95 : memref<64xi32, #tpu.memory_space<vmem>>) semaphore(%arg7 : memref<!tpu.dma_semaphore, #tpu.memory_space<semaphore_mem>>)
    %dma_wait3A_99 = arith.constant 0 : i32
    %dma_wait3A_100 = arith.constant 0 : i32
    %dma_wait3A_101 = tpu.memref_slice %arg6[%dma_wait3A_99, %dma_wait3A_100] : memref<64x784xf32, #tpu.memory_space<vmem>> -> memref<64x784xf32, #tpu.memory_space<vmem>>
    %dma_wait3A_102 = arith.constant 320 : i32
    %dma_wait3A_103 = tpu.memref_slice %arg5[%dma_wait3A_102] : memref<640xi32, #tpu.memory_space<vmem>> -> memref<64xi32, #tpu.memory_space<vmem>>
    %dma_wait3A_104 = arith.constant 0 : i32
    %dma_wait3A_105 = arith.constant 0 : i32
    %dma_wait3A_106 = tpu.memref_slice %arg2[%dma_wait3A_104, %dma_wait3A_105] : memref<24576x784xf32, #tpu.memory_space<hbm>> -> memref<24576x784xf32, #tpu.memory_space<hbm>>
    tpu.wait_indirect_dma semaphore(%arg7 : memref<!tpu.dma_semaphore, #tpu.memory_space<semaphore_mem>>) src(%dma_wait3A_106 : memref<24576x784xf32, #tpu.memory_space<hbm>>) dst(%dma_wait3A_101 : memref<64x784xf32, #tpu.memory_space<vmem>>)
    %add3A_107 = arith.constant 320 : i32
    %add3A_108 = arith.addi %mul3A_2, %add3A_107 : i32
    "tpu.region"() ({
      %run_scoped3A = tpu.sem_alloc : memref<!tpu.dma_semaphore, #tpu.memory_space<semaphore_mem>>
      %dma_start3A_181 = arith.constant 0 : i32
      %dma_start3A_182 = arith.constant 0 : i32
      %dma_start3A_183 = tpu.memref_slice %arg6[%dma_start3A_181, %dma_start3A_182] : memref<64x784xf32, #tpu.memory_space<vmem>> -> memref<64x784xf32, #tpu.memory_space<vmem>>
      %dma_start3A_184 = arith.constant 0 : i32
      %dma_start3A_185 = tpu.memref_slice %arg4[%add3A_108, %dma_start3A_184] : memref<19712x784xf32, #tpu.memory_space<hbm>> -> memref<64x784xf32, #tpu.memory_space<hbm>>
      %dma_start3A_186 = arith.constant 0 : i32
      %dma_start3A_187 = tpu.memref_slice %arg4[%add3A_108, %dma_start3A_186] : memref<19712x784xf32, #tpu.memory_space<hbm>> -> memref<64x784xf32, #tpu.memory_space<hbm>>
      %dma_start3A_188 = arith.constant 0 : i32
      %dma_start3A_189 = arith.constant 0 : i32
      %dma_start3A_190 = tpu.memref_slice %arg6[%dma_start3A_188, %dma_start3A_189] : memref<64x784xf32, #tpu.memory_space<vmem>> -> memref<64x784xf32, #tpu.memory_space<vmem>>
      tpu.enqueue_dma source(%dma_start3A_190 : memref<64x784xf32, #tpu.memory_space<vmem>>) target(%dma_start3A_187 : memref<64x784xf32, #tpu.memory_space<hbm>>) target_semaphore(%run_scoped3A : memref<!tpu.dma_semaphore, #tpu.memory_space<semaphore_mem>>)
      %dma_wait3A_191 = arith.constant 0 : i32
      %dma_wait3A_192 = arith.constant 0 : i32
      %dma_wait3A_193 = tpu.memref_slice %arg6[%dma_wait3A_191, %dma_wait3A_192] : memref<64x784xf32, #tpu.memory_space<vmem>> -> memref<64x784xf32, #tpu.memory_space<vmem>>
      %dma_wait3A_194 = arith.constant 0 : i32
      %dma_wait3A_195 = tpu.memref_slice %arg4[%add3A_108, %dma_wait3A_194] : memref<19712x784xf32, #tpu.memory_space<hbm>> -> memref<64x784xf32, #tpu.memory_space<hbm>>
      %dma_wait3A_196 = arith.constant 0 : i32
      %dma_wait3A_197 = tpu.memref_slice %arg4[%add3A_108, %dma_wait3A_196] : memref<19712x784xf32, #tpu.memory_space<hbm>> -> memref<64x784xf32, #tpu.memory_space<hbm>>
      %dma_wait3A_198 = arith.constant 0 : i32
      %dma_wait3A_199 = arith.constant 0 : i32
      %dma_wait3A_200 = tpu.memref_slice %arg6[%dma_wait3A_198, %dma_wait3A_199] : memref<64x784xf32, #tpu.memory_space<vmem>> -> memref<64x784xf32, #tpu.memory_space<vmem>>
      tpu.wait_dma2 semaphore(%run_scoped3A : memref<!tpu.dma_semaphore, #tpu.memory_space<semaphore_mem>>) src(%dma_wait3A_200 : memref<64x784xf32, #tpu.memory_space<vmem>>) dst(%dma_wait3A_197 : memref<64x784xf32, #tpu.memory_space<hbm>>)
      tpu.yield
    }) : () -> ()
    %dma_start3A_109 = arith.constant 0 : i32
    %dma_start3A_110 = arith.constant 0 : i32
    %dma_start3A_111 = tpu.memref_slice %arg6[%dma_start3A_109, %dma_start3A_110] : memref<64x784xf32, #tpu.memory_space<vmem>> -> memref<64x784xf32, #tpu.memory_space<vmem>>
    %dma_start3A_112 = arith.constant 384 : i32
    %dma_start3A_113 = tpu.memref_slice %arg5[%dma_start3A_112] : memref<640xi32, #tpu.memory_space<vmem>> -> memref<64xi32, #tpu.memory_space<vmem>>
    %dma_start3A_114 = arith.constant 0 : i32
    %dma_start3A_115 = arith.constant 0 : i32
    %dma_start3A_116 = tpu.memref_slice %arg2[%dma_start3A_114, %dma_start3A_115] : memref<24576x784xf32, #tpu.memory_space<hbm>> -> memref<24576x784xf32, #tpu.memory_space<hbm>>
    tpu.enqueue_indirect_dma source(%dma_start3A_116 : memref<24576x784xf32, #tpu.memory_space<hbm>>) target(%dma_start3A_111 : memref<64x784xf32, #tpu.memory_space<vmem>>) offsets(%dma_start3A_113 : memref<64xi32, #tpu.memory_space<vmem>>) semaphore(%arg7 : memref<!tpu.dma_semaphore, #tpu.memory_space<semaphore_mem>>)
    %dma_wait3A_117 = arith.constant 0 : i32
    %dma_wait3A_118 = arith.constant 0 : i32
    %dma_wait3A_119 = tpu.memref_slice %arg6[%dma_wait3A_117, %dma_wait3A_118] : memref<64x784xf32, #tpu.memory_space<vmem>> -> memref<64x784xf32, #tpu.memory_space<vmem>>
    %dma_wait3A_120 = arith.constant 384 : i32
    %dma_wait3A_121 = tpu.memref_slice %arg5[%dma_wait3A_120] : memref<640xi32, #tpu.memory_space<vmem>> -> memref<64xi32, #tpu.memory_space<vmem>>
    %dma_wait3A_122 = arith.constant 0 : i32
    %dma_wait3A_123 = arith.constant 0 : i32
    %dma_wait3A_124 = tpu.memref_slice %arg2[%dma_wait3A_122, %dma_wait3A_123] : memref<24576x784xf32, #tpu.memory_space<hbm>> -> memref<24576x784xf32, #tpu.memory_space<hbm>>
    tpu.wait_indirect_dma semaphore(%arg7 : memref<!tpu.dma_semaphore, #tpu.memory_space<semaphore_mem>>) src(%dma_wait3A_124 : memref<24576x784xf32, #tpu.memory_space<hbm>>) dst(%dma_wait3A_119 : memref<64x784xf32, #tpu.memory_space<vmem>>)
    %add3A_125 = arith.constant 384 : i32
    %add3A_126 = arith.addi %mul3A_2, %add3A_125 : i32
    "tpu.region"() ({
      %run_scoped3A = tpu.sem_alloc : memref<!tpu.dma_semaphore, #tpu.memory_space<semaphore_mem>>
      %dma_start3A_181 = arith.constant 0 : i32
      %dma_start3A_182 = arith.constant 0 : i32
      %dma_start3A_183 = tpu.memref_slice %arg6[%dma_start3A_181, %dma_start3A_182] : memref<64x784xf32, #tpu.memory_space<vmem>> -> memref<64x784xf32, #tpu.memory_space<vmem>>
      %dma_start3A_184 = arith.constant 0 : i32
      %dma_start3A_185 = tpu.memref_slice %arg4[%add3A_126, %dma_start3A_184] : memref<19712x784xf32, #tpu.memory_space<hbm>> -> memref<64x784xf32, #tpu.memory_space<hbm>>
      %dma_start3A_186 = arith.constant 0 : i32
      %dma_start3A_187 = tpu.memref_slice %arg4[%add3A_126, %dma_start3A_186] : memref<19712x784xf32, #tpu.memory_space<hbm>> -> memref<64x784xf32, #tpu.memory_space<hbm>>
      %dma_start3A_188 = arith.constant 0 : i32
      %dma_start3A_189 = arith.constant 0 : i32
      %dma_start3A_190 = tpu.memref_slice %arg6[%dma_start3A_188, %dma_start3A_189] : memref<64x784xf32, #tpu.memory_space<vmem>> -> memref<64x784xf32, #tpu.memory_space<vmem>>
      tpu.enqueue_dma source(%dma_start3A_190 : memref<64x784xf32, #tpu.memory_space<vmem>>) target(%dma_start3A_187 : memref<64x784xf32, #tpu.memory_space<hbm>>) target_semaphore(%run_scoped3A : memref<!tpu.dma_semaphore, #tpu.memory_space<semaphore_mem>>)
      %dma_wait3A_191 = arith.constant 0 : i32
      %dma_wait3A_192 = arith.constant 0 : i32
      %dma_wait3A_193 = tpu.memref_slice %arg6[%dma_wait3A_191, %dma_wait3A_192] : memref<64x784xf32, #tpu.memory_space<vmem>> -> memref<64x784xf32, #tpu.memory_space<vmem>>
      %dma_wait3A_194 = arith.constant 0 : i32
      %dma_wait3A_195 = tpu.memref_slice %arg4[%add3A_126, %dma_wait3A_194] : memref<19712x784xf32, #tpu.memory_space<hbm>> -> memref<64x784xf32, #tpu.memory_space<hbm>>
      %dma_wait3A_196 = arith.constant 0 : i32
      %dma_wait3A_197 = tpu.memref_slice %arg4[%add3A_126, %dma_wait3A_196] : memref<19712x784xf32, #tpu.memory_space<hbm>> -> memref<64x784xf32, #tpu.memory_space<hbm>>
      %dma_wait3A_198 = arith.constant 0 : i32
      %dma_wait3A_199 = arith.constant 0 : i32
      %dma_wait3A_200 = tpu.memref_slice %arg6[%dma_wait3A_198, %dma_wait3A_199] : memref<64x784xf32, #tpu.memory_space<vmem>> -> memref<64x784xf32, #tpu.memory_space<vmem>>
      tpu.wait_dma2 semaphore(%run_scoped3A : memref<!tpu.dma_semaphore, #tpu.memory_space<semaphore_mem>>) src(%dma_wait3A_200 : memref<64x784xf32, #tpu.memory_space<vmem>>) dst(%dma_wait3A_197 : memref<64x784xf32, #tpu.memory_space<hbm>>)
      tpu.yield
    }) : () -> ()
    %dma_start3A_127 = arith.constant 0 : i32
    %dma_start3A_128 = arith.constant 0 : i32
    %dma_start3A_129 = tpu.memref_slice %arg6[%dma_start3A_127, %dma_start3A_128] : memref<64x784xf32, #tpu.memory_space<vmem>> -> memref<64x784xf32, #tpu.memory_space<vmem>>
    %dma_start3A_130 = arith.constant 448 : i32
    %dma_start3A_131 = tpu.memref_slice %arg5[%dma_start3A_130] : memref<640xi32, #tpu.memory_space<vmem>> -> memref<64xi32, #tpu.memory_space<vmem>>
    %dma_start3A_132 = arith.constant 0 : i32
    %dma_start3A_133 = arith.constant 0 : i32
    %dma_start3A_134 = tpu.memref_slice %arg2[%dma_start3A_132, %dma_start3A_133] : memref<24576x784xf32, #tpu.memory_space<hbm>> -> memref<24576x784xf32, #tpu.memory_space<hbm>>
    tpu.enqueue_indirect_dma source(%dma_start3A_134 : memref<24576x784xf32, #tpu.memory_space<hbm>>) target(%dma_start3A_129 : memref<64x784xf32, #tpu.memory_space<vmem>>) offsets(%dma_start3A_131 : memref<64xi32, #tpu.memory_space<vmem>>) semaphore(%arg7 : memref<!tpu.dma_semaphore, #tpu.memory_space<semaphore_mem>>)
    %dma_wait3A_135 = arith.constant 0 : i32
    %dma_wait3A_136 = arith.constant 0 : i32
    %dma_wait3A_137 = tpu.memref_slice %arg6[%dma_wait3A_135, %dma_wait3A_136] : memref<64x784xf32, #tpu.memory_space<vmem>> -> memref<64x784xf32, #tpu.memory_space<vmem>>
    %dma_wait3A_138 = arith.constant 448 : i32
    %dma_wait3A_139 = tpu.memref_slice %arg5[%dma_wait3A_138] : memref<640xi32, #tpu.memory_space<vmem>> -> memref<64xi32, #tpu.memory_space<vmem>>
    %dma_wait3A_140 = arith.constant 0 : i32
    %dma_wait3A_141 = arith.constant 0 : i32
    %dma_wait3A_142 = tpu.memref_slice %arg2[%dma_wait3A_140, %dma_wait3A_141] : memref<24576x784xf32, #tpu.memory_space<hbm>> -> memref<24576x784xf32, #tpu.memory_space<hbm>>
    tpu.wait_indirect_dma semaphore(%arg7 : memref<!tpu.dma_semaphore, #tpu.memory_space<semaphore_mem>>) src(%dma_wait3A_142 : memref<24576x784xf32, #tpu.memory_space<hbm>>) dst(%dma_wait3A_137 : memref<64x784xf32, #tpu.memory_space<vmem>>)
    %add3A_143 = arith.constant 448 : i32
    %add3A_144 = arith.addi %mul3A_2, %add3A_143 : i32
    "tpu.region"() ({
      %run_scoped3A = tpu.sem_alloc : memref<!tpu.dma_semaphore, #tpu.memory_space<semaphore_mem>>
      %dma_start3A_181 = arith.constant 0 : i32
      %dma_start3A_182 = arith.constant 0 : i32
      %dma_start3A_183 = tpu.memref_slice %arg6[%dma_start3A_181, %dma_start3A_182] : memref<64x784xf32, #tpu.memory_space<vmem>> -> memref<64x784xf32, #tpu.memory_space<vmem>>
      %dma_start3A_184 = arith.constant 0 : i32
      %dma_start3A_185 = tpu.memref_slice %arg4[%add3A_144, %dma_start3A_184] : memref<19712x784xf32, #tpu.memory_space<hbm>> -> memref<64x784xf32, #tpu.memory_space<hbm>>
      %dma_start3A_186 = arith.constant 0 : i32
      %dma_start3A_187 = tpu.memref_slice %arg4[%add3A_144, %dma_start3A_186] : memref<19712x784xf32, #tpu.memory_space<hbm>> -> memref<64x784xf32, #tpu.memory_space<hbm>>
      %dma_start3A_188 = arith.constant 0 : i32
      %dma_start3A_189 = arith.constant 0 : i32
      %dma_start3A_190 = tpu.memref_slice %arg6[%dma_start3A_188, %dma_start3A_189] : memref<64x784xf32, #tpu.memory_space<vmem>> -> memref<64x784xf32, #tpu.memory_space<vmem>>
      tpu.enqueue_dma source(%dma_start3A_190 : memref<64x784xf32, #tpu.memory_space<vmem>>) target(%dma_start3A_187 : memref<64x784xf32, #tpu.memory_space<hbm>>) target_semaphore(%run_scoped3A : memref<!tpu.dma_semaphore, #tpu.memory_space<semaphore_mem>>)
      %dma_wait3A_191 = arith.constant 0 : i32
      %dma_wait3A_192 = arith.constant 0 : i32
      %dma_wait3A_193 = tpu.memref_slice %arg6[%dma_wait3A_191, %dma_wait3A_192] : memref<64x784xf32, #tpu.memory_space<vmem>> -> memref<64x784xf32, #tpu.memory_space<vmem>>
      %dma_wait3A_194 = arith.constant 0 : i32
      %dma_wait3A_195 = tpu.memref_slice %arg4[%add3A_144, %dma_wait3A_194] : memref<19712x784xf32, #tpu.memory_space<hbm>> -> memref<64x784xf32, #tpu.memory_space<hbm>>
      %dma_wait3A_196 = arith.constant 0 : i32
      %dma_wait3A_197 = tpu.memref_slice %arg4[%add3A_144, %dma_wait3A_196] : memref<19712x784xf32, #tpu.memory_space<hbm>> -> memref<64x784xf32, #tpu.memory_space<hbm>>
      %dma_wait3A_198 = arith.constant 0 : i32
      %dma_wait3A_199 = arith.constant 0 : i32
      %dma_wait3A_200 = tpu.memref_slice %arg6[%dma_wait3A_198, %dma_wait3A_199] : memref<64x784xf32, #tpu.memory_space<vmem>> -> memref<64x784xf32, #tpu.memory_space<vmem>>
      tpu.wait_dma2 semaphore(%run_scoped3A : memref<!tpu.dma_semaphore, #tpu.memory_space<semaphore_mem>>) src(%dma_wait3A_200 : memref<64x784xf32, #tpu.memory_space<vmem>>) dst(%dma_wait3A_197 : memref<64x784xf32, #tpu.memory_space<hbm>>)
      tpu.yield
    }) : () -> ()
    %dma_start3A_145 = arith.constant 0 : i32
    %dma_start3A_146 = arith.constant 0 : i32
    %dma_start3A_147 = tpu.memref_slice %arg6[%dma_start3A_145, %dma_start3A_146] : memref<64x784xf32, #tpu.memory_space<vmem>> -> memref<64x784xf32, #tpu.memory_space<vmem>>
    %dma_start3A_148 = arith.constant 512 : i32
    %dma_start3A_149 = tpu.memref_slice %arg5[%dma_start3A_148] : memref<640xi32, #tpu.memory_space<vmem>> -> memref<64xi32, #tpu.memory_space<vmem>>
    %dma_start3A_150 = arith.constant 0 : i32
    %dma_start3A_151 = arith.constant 0 : i32
    %dma_start3A_152 = tpu.memref_slice %arg2[%dma_start3A_150, %dma_start3A_151] : memref<24576x784xf32, #tpu.memory_space<hbm>> -> memref<24576x784xf32, #tpu.memory_space<hbm>>
    tpu.enqueue_indirect_dma source(%dma_start3A_152 : memref<24576x784xf32, #tpu.memory_space<hbm>>) target(%dma_start3A_147 : memref<64x784xf32, #tpu.memory_space<vmem>>) offsets(%dma_start3A_149 : memref<64xi32, #tpu.memory_space<vmem>>) semaphore(%arg7 : memref<!tpu.dma_semaphore, #tpu.memory_space<semaphore_mem>>)
    %dma_wait3A_153 = arith.constant 0 : i32
    %dma_wait3A_154 = arith.constant 0 : i32
    %dma_wait3A_155 = tpu.memref_slice %arg6[%dma_wait3A_153, %dma_wait3A_154] : memref<64x784xf32, #tpu.memory_space<vmem>> -> memref<64x784xf32, #tpu.memory_space<vmem>>
    %dma_wait3A_156 = arith.constant 512 : i32
    %dma_wait3A_157 = tpu.memref_slice %arg5[%dma_wait3A_156] : memref<640xi32, #tpu.memory_space<vmem>> -> memref<64xi32, #tpu.memory_space<vmem>>
    %dma_wait3A_158 = arith.constant 0 : i32
    %dma_wait3A_159 = arith.constant 0 : i32
    %dma_wait3A_160 = tpu.memref_slice %arg2[%dma_wait3A_158, %dma_wait3A_159] : memref<24576x784xf32, #tpu.memory_space<hbm>> -> memref<24576x784xf32, #tpu.memory_space<hbm>>
    tpu.wait_indirect_dma semaphore(%arg7 : memref<!tpu.dma_semaphore, #tpu.memory_space<semaphore_mem>>) src(%dma_wait3A_160 : memref<24576x784xf32, #tpu.memory_space<hbm>>) dst(%dma_wait3A_155 : memref<64x784xf32, #tpu.memory_space<vmem>>)
    %add3A_161 = arith.constant 512 : i32
    %add3A_162 = arith.addi %mul3A_2, %add3A_161 : i32
    "tpu.region"() ({
      %run_scoped3A = tpu.sem_alloc : memref<!tpu.dma_semaphore, #tpu.memory_space<semaphore_mem>>
      %dma_start3A_181 = arith.constant 0 : i32
      %dma_start3A_182 = arith.constant 0 : i32
      %dma_start3A_183 = tpu.memref_slice %arg6[%dma_start3A_181, %dma_start3A_182] : memref<64x784xf32, #tpu.memory_space<vmem>> -> memref<64x784xf32, #tpu.memory_space<vmem>>
      %dma_start3A_184 = arith.constant 0 : i32
      %dma_start3A_185 = tpu.memref_slice %arg4[%add3A_162, %dma_start3A_184] : memref<19712x784xf32, #tpu.memory_space<hbm>> -> memref<64x784xf32, #tpu.memory_space<hbm>>
      %dma_start3A_186 = arith.constant 0 : i32
      %dma_start3A_187 = tpu.memref_slice %arg4[%add3A_162, %dma_start3A_186] : memref<19712x784xf32, #tpu.memory_space<hbm>> -> memref<64x784xf32, #tpu.memory_space<hbm>>
      %dma_start3A_188 = arith.constant 0 : i32
      %dma_start3A_189 = arith.constant 0 : i32
      %dma_start3A_190 = tpu.memref_slice %arg6[%dma_start3A_188, %dma_start3A_189] : memref<64x784xf32, #tpu.memory_space<vmem>> -> memref<64x784xf32, #tpu.memory_space<vmem>>
      tpu.enqueue_dma source(%dma_start3A_190 : memref<64x784xf32, #tpu.memory_space<vmem>>) target(%dma_start3A_187 : memref<64x784xf32, #tpu.memory_space<hbm>>) target_semaphore(%run_scoped3A : memref<!tpu.dma_semaphore, #tpu.memory_space<semaphore_mem>>)
      %dma_wait3A_191 = arith.constant 0 : i32
      %dma_wait3A_192 = arith.constant 0 : i32
      %dma_wait3A_193 = tpu.memref_slice %arg6[%dma_wait3A_191, %dma_wait3A_192] : memref<64x784xf32, #tpu.memory_space<vmem>> -> memref<64x784xf32, #tpu.memory_space<vmem>>
      %dma_wait3A_194 = arith.constant 0 : i32
      %dma_wait3A_195 = tpu.memref_slice %arg4[%add3A_162, %dma_wait3A_194] : memref<19712x784xf32, #tpu.memory_space<hbm>> -> memref<64x784xf32, #tpu.memory_space<hbm>>
      %dma_wait3A_196 = arith.constant 0 : i32
      %dma_wait3A_197 = tpu.memref_slice %arg4[%add3A_162, %dma_wait3A_196] : memref<19712x784xf32, #tpu.memory_space<hbm>> -> memref<64x784xf32, #tpu.memory_space<hbm>>
      %dma_wait3A_198 = arith.constant 0 : i32
      %dma_wait3A_199 = arith.constant 0 : i32
      %dma_wait3A_200 = tpu.memref_slice %arg6[%dma_wait3A_198, %dma_wait3A_199] : memref<64x784xf32, #tpu.memory_space<vmem>> -> memref<64x784xf32, #tpu.memory_space<vmem>>
      tpu.wait_dma2 semaphore(%run_scoped3A : memref<!tpu.dma_semaphore, #tpu.memory_space<semaphore_mem>>) src(%dma_wait3A_200 : memref<64x784xf32, #tpu.memory_space<vmem>>) dst(%dma_wait3A_197 : memref<64x784xf32, #tpu.memory_space<hbm>>)
      tpu.yield
    }) : () -> ()
    %dma_start3A_163 = arith.constant 0 : i32
    %dma_start3A_164 = arith.constant 0 : i32
    %dma_start3A_165 = tpu.memref_slice %arg6[%dma_start3A_163, %dma_start3A_164] : memref<64x784xf32, #tpu.memory_space<vmem>> -> memref<40x784xf32, #tpu.memory_space<vmem>>
    %dma_start3A_166 = arith.constant 576 : i32
    %dma_start3A_167 = tpu.memref_slice %arg5[%dma_start3A_166] : memref<640xi32, #tpu.memory_space<vmem>> -> memref<40xi32, #tpu.memory_space<vmem>>
    %dma_start3A_168 = arith.constant 0 : i32
    %dma_start3A_169 = arith.constant 0 : i32
    %dma_start3A_170 = tpu.memref_slice %arg2[%dma_start3A_168, %dma_start3A_169] : memref<24576x784xf32, #tpu.memory_space<hbm>> -> memref<24576x784xf32, #tpu.memory_space<hbm>>
    tpu.enqueue_indirect_dma source(%dma_start3A_170 : memref<24576x784xf32, #tpu.memory_space<hbm>>) target(%dma_start3A_165 : memref<40x784xf32, #tpu.memory_space<vmem>>) offsets(%dma_start3A_167 : memref<40xi32, #tpu.memory_space<vmem>>) semaphore(%arg7 : memref<!tpu.dma_semaphore, #tpu.memory_space<semaphore_mem>>)
    %dma_wait3A_171 = arith.constant 0 : i32
    %dma_wait3A_172 = arith.constant 0 : i32
    %dma_wait3A_173 = tpu.memref_slice %arg6[%dma_wait3A_171, %dma_wait3A_172] : memref<64x784xf32, #tpu.memory_space<vmem>> -> memref<40x784xf32, #tpu.memory_space<vmem>>
    %dma_wait3A_174 = arith.constant 576 : i32
    %dma_wait3A_175 = tpu.memref_slice %arg5[%dma_wait3A_174] : memref<640xi32, #tpu.memory_space<vmem>> -> memref<40xi32, #tpu.memory_space<vmem>>
    %dma_wait3A_176 = arith.constant 0 : i32
    %dma_wait3A_177 = arith.constant 0 : i32
    %dma_wait3A_178 = tpu.memref_slice %arg2[%dma_wait3A_176, %dma_wait3A_177] : memref<24576x784xf32, #tpu.memory_space<hbm>> -> memref<24576x784xf32, #tpu.memory_space<hbm>>
    tpu.wait_indirect_dma semaphore(%arg7 : memref<!tpu.dma_semaphore, #tpu.memory_space<semaphore_mem>>) src(%dma_wait3A_178 : memref<24576x784xf32, #tpu.memory_space<hbm>>) dst(%dma_wait3A_173 : memref<40x784xf32, #tpu.memory_space<vmem>>)
    %add3A_179 = arith.constant 576 : i32
    %add3A_180 = arith.addi %mul3A_2, %add3A_179 : i32
    "tpu.region"() ({
      %run_scoped3A = tpu.sem_alloc : memref<!tpu.dma_semaphore, #tpu.memory_space<semaphore_mem>>
      %dma_start3A_181 = arith.constant 0 : i32
      %dma_start3A_182 = arith.constant 0 : i32
      %dma_start3A_183 = tpu.memref_slice %arg6[%dma_start3A_181, %dma_start3A_182] : memref<64x784xf32, #tpu.memory_space<vmem>> -> memref<40x784xf32, #tpu.memory_space<vmem>>
      %dma_start3A_184 = arith.constant 0 : i32
      %dma_start3A_185 = tpu.memref_slice %arg4[%add3A_180, %dma_start3A_184] : memref<19712x784xf32, #tpu.memory_space<hbm>> -> memref<40x784xf32, #tpu.memory_space<hbm>>
      %dma_start3A_186 = arith.constant 0 : i32
      %dma_start3A_187 = tpu.memref_slice %arg4[%add3A_180, %dma_start3A_186] : memref<19712x784xf32, #tpu.memory_space<hbm>> -> memref<40x784xf32, #tpu.memory_space<hbm>>
      %dma_start3A_188 = arith.constant 0 : i32
      %dma_start3A_189 = arith.constant 0 : i32
      %dma_start3A_190 = tpu.memref_slice %arg6[%dma_start3A_188, %dma_start3A_189] : memref<64x784xf32, #tpu.memory_space<vmem>> -> memref<40x784xf32, #tpu.memory_space<vmem>>
      tpu.enqueue_dma source(%dma_start3A_190 : memref<40x784xf32, #tpu.memory_space<vmem>>) target(%dma_start3A_187 : memref<40x784xf32, #tpu.memory_space<hbm>>) target_semaphore(%run_scoped3A : memref<!tpu.dma_semaphore, #tpu.memory_space<semaphore_mem>>)
      %dma_wait3A_191 = arith.constant 0 : i32
      %dma_wait3A_192 = arith.constant 0 : i32
      %dma_wait3A_193 = tpu.memref_slice %arg6[%dma_wait3A_191, %dma_wait3A_192] : memref<64x784xf32, #tpu.memory_space<vmem>> -> memref<40x784xf32, #tpu.memory_space<vmem>>
      %dma_wait3A_194 = arith.constant 0 : i32
      %dma_wait3A_195 = tpu.memref_slice %arg4[%add3A_180, %dma_wait3A_194] : memref<19712x784xf32, #tpu.memory_space<hbm>> -> memref<40x784xf32, #tpu.memory_space<hbm>>
      %dma_wait3A_196 = arith.constant 0 : i32
      %dma_wait3A_197 = tpu.memref_slice %arg4[%add3A_180, %dma_wait3A_196] : memref<19712x784xf32, #tpu.memory_space<hbm>> -> memref<40x784xf32, #tpu.memory_space<hbm>>
      %dma_wait3A_198 = arith.constant 0 : i32
      %dma_wait3A_199 = arith.constant 0 : i32
      %dma_wait3A_200 = tpu.memref_slice %arg6[%dma_wait3A_198, %dma_wait3A_199] : memref<64x784xf32, #tpu.memory_space<vmem>> -> memref<40x784xf32, #tpu.memory_space<vmem>>
      tpu.wait_dma2 semaphore(%run_scoped3A : memref<!tpu.dma_semaphore, #tpu.memory_space<semaphore_mem>>) src(%dma_wait3A_200 : memref<40x784xf32, #tpu.memory_space<vmem>>) dst(%dma_wait3A_197 : memref<40x784xf32, #tpu.memory_space<hbm>>)
      tpu.yield
    }) : () -> ()
    return
  }
}

module attributes {stable_mosaic.version = 14 : i64} {
  func.func @_prep_body(%arg0: i32, %arg1: memref<1x1x768xf32, #tpu.memory_space<vmem>>, %arg2: memref<1x768x1xf32, #tpu.memory_space<vmem>>, %arg3: memref<154x154xf32, #tpu.memory_space<vmem>>, %arg4: memref<154x1xf32, #tpu.memory_space<vmem>>, %arg5: memref<1x768x784xf32, #tpu.memory_space<vmem>>, %arg6: memref<1x154x784xf32, #tpu.memory_space<vmem>>, %arg7: memref<1x1x640xi32, #tpu.memory_space<vmem>>) attributes {dimension_semantics = [#tpu.dimension_semantics<arbitrary>], iteration_bounds = array<i64: 32>, scalar_prefetch = 0 : i64, scratch_operands = 0 : i64, tpu.core_type = #tpu.core_type<tc>, window_params = [{transform_indices = @transform_0, window_bounds = array<i64: 1, 1, 768>}, {transform_indices = @transform_1, window_bounds = array<i64: 1, 768, 1>}, {pipeline_mode = #tpu.pipeline_mode<synchronous>, transform_indices = @transform_2, window_bounds = array<i64: 154, 154>}, {pipeline_mode = #tpu.pipeline_mode<synchronous>, transform_indices = @transform_3, window_bounds = array<i64: 154, 1>}, {transform_indices = @transform_4, window_bounds = array<i64: 1, 768, 784>}, {transform_indices = @transform_5, window_bounds = array<i64: 1, 154, 784>}, {transform_indices = @transform_6, window_bounds = array<i64: 1, 1, 640>}]} {
    %get3A = arith.constant 0 : index
    %get3A_0 = arith.constant 0 : index
    %get3A_1 = arith.constant 0 : index
    %get3A_2 = vector.load %arg1[%get3A, %get3A_0, %get3A_1] : memref<1x1x768xf32, #tpu.memory_space<vmem>>, vector<1x1x768xf32>
    %get3A_3 = vector.shape_cast %get3A_2 : vector<1x1x768xf32> to vector<1x768xf32>
    %get3A_4 = arith.constant 0 : index
    %get3A_5 = arith.constant 0 : index
    %get3A_6 = arith.constant 0 : index
    %get3A_7 = vector.load %arg2[%get3A_4, %get3A_5, %get3A_6] : memref<1x768x1xf32, #tpu.memory_space<vmem>>, vector<1x768x1xf32>
    %get3A_8 = vector.shape_cast %get3A_7 : vector<1x768x1xf32> to vector<768x1xf32>
    %iota3A = tpu.iota {dimensions = array<i32: 1>} : vector<64x768xi32>
    %iota3A_9 = tpu.iota {dimensions = array<i32: 0>} : vector<64x768xi32>
    %sub3A = arith.subi %iota3A, %iota3A_9 : vector<64x768xi32>
    %slice3A = vector.extract_strided_slice %get3A_8 {offsets = [0, 0], sizes = [64, 1], strides = [1, 1]} : vector<768x1xf32> to vector<64x1xf32>
    %eq3A = vector.broadcast %get3A_3 : vector<1x768xf32> to vector<64x768xf32>
    %eq3A_10 = vector.broadcast %slice3A : vector<64x1xf32> to vector<64x768xf32>
    %eq3A_11 = arith.cmpf oeq, %eq3A, %eq3A_10 : vector<64x768xf32>
    %lt3A = arith.constant 0 : i32
    %lt3A_12 = vector.broadcast %lt3A : i32 to vector<64x768xi32>
    %lt3A_13 = arith.cmpi slt, %sub3A, %lt3A_12 : vector<64x768xi32>
    %and3A = arith.andi %eq3A_11, %lt3A_13 : vector<64x768xi1>
    %gt3A = vector.broadcast %get3A_3 : vector<1x768xf32> to vector<64x768xf32>
    %gt3A_14 = vector.broadcast %slice3A : vector<64x1xf32> to vector<64x768xf32>
    %gt3A_15 = arith.cmpf ogt, %gt3A, %gt3A_14 : vector<64x768xf32>
    %or3A = arith.ori %gt3A_15, %and3A : vector<64x768xi1>
    %convert_element_type3A = arith.extui %or3A : vector<64x768xi1> to vector<64x768xi32>
    %reduce_sum3A = arith.constant dense<0> : vector<64xi32>
    %reduce_sum3A_16 = vector.multi_reduction <add>, %convert_element_type3A, %reduce_sum3A [1] : vector<64x768xi32> to vector<64xi32>
    %broadcast_in_dim3A = vector.shape_cast %reduce_sum3A_16 : vector<64xi32> to vector<64x1xi32>
    %lt3A_17 = vector.broadcast %get3A_3 : vector<1x768xf32> to vector<64x768xf32>
    %lt3A_18 = vector.broadcast %slice3A : vector<64x1xf32> to vector<64x768xf32>
    %lt3A_19 = arith.cmpf olt, %lt3A_17, %lt3A_18 : vector<64x768xf32>
    %or3A_20 = arith.ori %lt3A_19, %and3A : vector<64x768xi1>
    %convert_element_type3A_21 = arith.extui %or3A_20 : vector<64x768xi1> to vector<64x768xi32>
    %reduce_sum3A_22 = arith.constant dense<0> : vector<64xi32>
    %reduce_sum3A_23 = vector.multi_reduction <add>, %convert_element_type3A_21, %reduce_sum3A_22 [1] : vector<64x768xi32> to vector<64xi32>
    %broadcast_in_dim3A_24 = vector.shape_cast %reduce_sum3A_23 : vector<64xi32> to vector<64x1xi32>
    %slice3A_25 = vector.extract_strided_slice %get3A_8 {offsets = [64, 0], sizes = [64, 1], strides = [1, 1]} : vector<768x1xf32> to vector<64x1xf32>
    %eq3A_26 = vector.broadcast %get3A_3 : vector<1x768xf32> to vector<64x768xf32>
    %eq3A_27 = vector.broadcast %slice3A_25 : vector<64x1xf32> to vector<64x768xf32>
    %eq3A_28 = arith.cmpf oeq, %eq3A_26, %eq3A_27 : vector<64x768xf32>
    %lt3A_29 = arith.constant 64 : i32
    %lt3A_30 = vector.broadcast %lt3A_29 : i32 to vector<64x768xi32>
    %lt3A_31 = arith.cmpi slt, %sub3A, %lt3A_30 : vector<64x768xi32>
    %and3A_32 = arith.andi %eq3A_28, %lt3A_31 : vector<64x768xi1>
    %gt3A_33 = vector.broadcast %get3A_3 : vector<1x768xf32> to vector<64x768xf32>
    %gt3A_34 = vector.broadcast %slice3A_25 : vector<64x1xf32> to vector<64x768xf32>
    %gt3A_35 = arith.cmpf ogt, %gt3A_33, %gt3A_34 : vector<64x768xf32>
    %or3A_36 = arith.ori %gt3A_35, %and3A_32 : vector<64x768xi1>
    %convert_element_type3A_37 = arith.extui %or3A_36 : vector<64x768xi1> to vector<64x768xi32>
    %reduce_sum3A_38 = arith.constant dense<0> : vector<64xi32>
    %reduce_sum3A_39 = vector.multi_reduction <add>, %convert_element_type3A_37, %reduce_sum3A_38 [1] : vector<64x768xi32> to vector<64xi32>
    %broadcast_in_dim3A_40 = vector.shape_cast %reduce_sum3A_39 : vector<64xi32> to vector<64x1xi32>
    %lt3A_41 = vector.broadcast %get3A_3 : vector<1x768xf32> to vector<64x768xf32>
    %lt3A_42 = vector.broadcast %slice3A_25 : vector<64x1xf32> to vector<64x768xf32>
    %lt3A_43 = arith.cmpf olt, %lt3A_41, %lt3A_42 : vector<64x768xf32>
    %or3A_44 = arith.ori %lt3A_43, %and3A_32 : vector<64x768xi1>
    %convert_element_type3A_45 = arith.extui %or3A_44 : vector<64x768xi1> to vector<64x768xi32>
    %reduce_sum3A_46 = arith.constant dense<0> : vector<64xi32>
    %reduce_sum3A_47 = vector.multi_reduction <add>, %convert_element_type3A_45, %reduce_sum3A_46 [1] : vector<64x768xi32> to vector<64xi32>
    %broadcast_in_dim3A_48 = vector.shape_cast %reduce_sum3A_47 : vector<64xi32> to vector<64x1xi32>
    %slice3A_49 = vector.extract_strided_slice %get3A_8 {offsets = [128, 0], sizes = [64, 1], strides = [1, 1]} : vector<768x1xf32> to vector<64x1xf32>
    %eq3A_50 = vector.broadcast %get3A_3 : vector<1x768xf32> to vector<64x768xf32>
    %eq3A_51 = vector.broadcast %slice3A_49 : vector<64x1xf32> to vector<64x768xf32>
    %eq3A_52 = arith.cmpf oeq, %eq3A_50, %eq3A_51 : vector<64x768xf32>
    %lt3A_53 = arith.constant 128 : i32
    %lt3A_54 = vector.broadcast %lt3A_53 : i32 to vector<64x768xi32>
    %lt3A_55 = arith.cmpi slt, %sub3A, %lt3A_54 : vector<64x768xi32>
    %and3A_56 = arith.andi %eq3A_52, %lt3A_55 : vector<64x768xi1>
    %gt3A_57 = vector.broadcast %get3A_3 : vector<1x768xf32> to vector<64x768xf32>
    %gt3A_58 = vector.broadcast %slice3A_49 : vector<64x1xf32> to vector<64x768xf32>
    %gt3A_59 = arith.cmpf ogt, %gt3A_57, %gt3A_58 : vector<64x768xf32>
    %or3A_60 = arith.ori %gt3A_59, %and3A_56 : vector<64x768xi1>
    %convert_element_type3A_61 = arith.extui %or3A_60 : vector<64x768xi1> to vector<64x768xi32>
    %reduce_sum3A_62 = arith.constant dense<0> : vector<64xi32>
    %reduce_sum3A_63 = vector.multi_reduction <add>, %convert_element_type3A_61, %reduce_sum3A_62 [1] : vector<64x768xi32> to vector<64xi32>
    %broadcast_in_dim3A_64 = vector.shape_cast %reduce_sum3A_63 : vector<64xi32> to vector<64x1xi32>
    %lt3A_65 = vector.broadcast %get3A_3 : vector<1x768xf32> to vector<64x768xf32>
    %lt3A_66 = vector.broadcast %slice3A_49 : vector<64x1xf32> to vector<64x768xf32>
    %lt3A_67 = arith.cmpf olt, %lt3A_65, %lt3A_66 : vector<64x768xf32>
    %or3A_68 = arith.ori %lt3A_67, %and3A_56 : vector<64x768xi1>
    %convert_element_type3A_69 = arith.extui %or3A_68 : vector<64x768xi1> to vector<64x768xi32>
    %reduce_sum3A_70 = arith.constant dense<0> : vector<64xi32>
    %reduce_sum3A_71 = vector.multi_reduction <add>, %convert_element_type3A_69, %reduce_sum3A_70 [1] : vector<64x768xi32> to vector<64xi32>
    %broadcast_in_dim3A_72 = vector.shape_cast %reduce_sum3A_71 : vector<64xi32> to vector<64x1xi32>
    %slice3A_73 = vector.extract_strided_slice %get3A_8 {offsets = [192, 0], sizes = [64, 1], strides = [1, 1]} : vector<768x1xf32> to vector<64x1xf32>
    %eq3A_74 = vector.broadcast %get3A_3 : vector<1x768xf32> to vector<64x768xf32>
    %eq3A_75 = vector.broadcast %slice3A_73 : vector<64x1xf32> to vector<64x768xf32>
    %eq3A_76 = arith.cmpf oeq, %eq3A_74, %eq3A_75 : vector<64x768xf32>
    %lt3A_77 = arith.constant 192 : i32
    %lt3A_78 = vector.broadcast %lt3A_77 : i32 to vector<64x768xi32>
    %lt3A_79 = arith.cmpi slt, %sub3A, %lt3A_78 : vector<64x768xi32>
    %and3A_80 = arith.andi %eq3A_76, %lt3A_79 : vector<64x768xi1>
    %gt3A_81 = vector.broadcast %get3A_3 : vector<1x768xf32> to vector<64x768xf32>
    %gt3A_82 = vector.broadcast %slice3A_73 : vector<64x1xf32> to vector<64x768xf32>
    %gt3A_83 = arith.cmpf ogt, %gt3A_81, %gt3A_82 : vector<64x768xf32>
    %or3A_84 = arith.ori %gt3A_83, %and3A_80 : vector<64x768xi1>
    %convert_element_type3A_85 = arith.extui %or3A_84 : vector<64x768xi1> to vector<64x768xi32>
    %reduce_sum3A_86 = arith.constant dense<0> : vector<64xi32>
    %reduce_sum3A_87 = vector.multi_reduction <add>, %convert_element_type3A_85, %reduce_sum3A_86 [1] : vector<64x768xi32> to vector<64xi32>
    %broadcast_in_dim3A_88 = vector.shape_cast %reduce_sum3A_87 : vector<64xi32> to vector<64x1xi32>
    %lt3A_89 = vector.broadcast %get3A_3 : vector<1x768xf32> to vector<64x768xf32>
    %lt3A_90 = vector.broadcast %slice3A_73 : vector<64x1xf32> to vector<64x768xf32>
    %lt3A_91 = arith.cmpf olt, %lt3A_89, %lt3A_90 : vector<64x768xf32>
    %or3A_92 = arith.ori %lt3A_91, %and3A_80 : vector<64x768xi1>
    %convert_element_type3A_93 = arith.extui %or3A_92 : vector<64x768xi1> to vector<64x768xi32>
    %reduce_sum3A_94 = arith.constant dense<0> : vector<64xi32>
    %reduce_sum3A_95 = vector.multi_reduction <add>, %convert_element_type3A_93, %reduce_sum3A_94 [1] : vector<64x768xi32> to vector<64xi32>
    %broadcast_in_dim3A_96 = vector.shape_cast %reduce_sum3A_95 : vector<64xi32> to vector<64x1xi32>
    %slice3A_97 = vector.extract_strided_slice %get3A_8 {offsets = [256, 0], sizes = [64, 1], strides = [1, 1]} : vector<768x1xf32> to vector<64x1xf32>
    %eq3A_98 = vector.broadcast %get3A_3 : vector<1x768xf32> to vector<64x768xf32>
    %eq3A_99 = vector.broadcast %slice3A_97 : vector<64x1xf32> to vector<64x768xf32>
    %eq3A_100 = arith.cmpf oeq, %eq3A_98, %eq3A_99 : vector<64x768xf32>
    %lt3A_101 = arith.constant 256 : i32
    %lt3A_102 = vector.broadcast %lt3A_101 : i32 to vector<64x768xi32>
    %lt3A_103 = arith.cmpi slt, %sub3A, %lt3A_102 : vector<64x768xi32>
    %and3A_104 = arith.andi %eq3A_100, %lt3A_103 : vector<64x768xi1>
    %gt3A_105 = vector.broadcast %get3A_3 : vector<1x768xf32> to vector<64x768xf32>
    %gt3A_106 = vector.broadcast %slice3A_97 : vector<64x1xf32> to vector<64x768xf32>
    %gt3A_107 = arith.cmpf ogt, %gt3A_105, %gt3A_106 : vector<64x768xf32>
    %or3A_108 = arith.ori %gt3A_107, %and3A_104 : vector<64x768xi1>
    %convert_element_type3A_109 = arith.extui %or3A_108 : vector<64x768xi1> to vector<64x768xi32>
    %reduce_sum3A_110 = arith.constant dense<0> : vector<64xi32>
    %reduce_sum3A_111 = vector.multi_reduction <add>, %convert_element_type3A_109, %reduce_sum3A_110 [1] : vector<64x768xi32> to vector<64xi32>
    %broadcast_in_dim3A_112 = vector.shape_cast %reduce_sum3A_111 : vector<64xi32> to vector<64x1xi32>
    %lt3A_113 = vector.broadcast %get3A_3 : vector<1x768xf32> to vector<64x768xf32>
    %lt3A_114 = vector.broadcast %slice3A_97 : vector<64x1xf32> to vector<64x768xf32>
    %lt3A_115 = arith.cmpf olt, %lt3A_113, %lt3A_114 : vector<64x768xf32>
    %or3A_116 = arith.ori %lt3A_115, %and3A_104 : vector<64x768xi1>
    %convert_element_type3A_117 = arith.extui %or3A_116 : vector<64x768xi1> to vector<64x768xi32>
    %reduce_sum3A_118 = arith.constant dense<0> : vector<64xi32>
    %reduce_sum3A_119 = vector.multi_reduction <add>, %convert_element_type3A_117, %reduce_sum3A_118 [1] : vector<64x768xi32> to vector<64xi32>
    %broadcast_in_dim3A_120 = vector.shape_cast %reduce_sum3A_119 : vector<64xi32> to vector<64x1xi32>
    %slice3A_121 = vector.extract_strided_slice %get3A_8 {offsets = [320, 0], sizes = [64, 1], strides = [1, 1]} : vector<768x1xf32> to vector<64x1xf32>
    %eq3A_122 = vector.broadcast %get3A_3 : vector<1x768xf32> to vector<64x768xf32>
    %eq3A_123 = vector.broadcast %slice3A_121 : vector<64x1xf32> to vector<64x768xf32>
    %eq3A_124 = arith.cmpf oeq, %eq3A_122, %eq3A_123 : vector<64x768xf32>
    %lt3A_125 = arith.constant 320 : i32
    %lt3A_126 = vector.broadcast %lt3A_125 : i32 to vector<64x768xi32>
    %lt3A_127 = arith.cmpi slt, %sub3A, %lt3A_126 : vector<64x768xi32>
    %and3A_128 = arith.andi %eq3A_124, %lt3A_127 : vector<64x768xi1>
    %gt3A_129 = vector.broadcast %get3A_3 : vector<1x768xf32> to vector<64x768xf32>
    %gt3A_130 = vector.broadcast %slice3A_121 : vector<64x1xf32> to vector<64x768xf32>
    %gt3A_131 = arith.cmpf ogt, %gt3A_129, %gt3A_130 : vector<64x768xf32>
    %or3A_132 = arith.ori %gt3A_131, %and3A_128 : vector<64x768xi1>
    %convert_element_type3A_133 = arith.extui %or3A_132 : vector<64x768xi1> to vector<64x768xi32>
    %reduce_sum3A_134 = arith.constant dense<0> : vector<64xi32>
    %reduce_sum3A_135 = vector.multi_reduction <add>, %convert_element_type3A_133, %reduce_sum3A_134 [1] : vector<64x768xi32> to vector<64xi32>
    %broadcast_in_dim3A_136 = vector.shape_cast %reduce_sum3A_135 : vector<64xi32> to vector<64x1xi32>
    %lt3A_137 = vector.broadcast %get3A_3 : vector<1x768xf32> to vector<64x768xf32>
    %lt3A_138 = vector.broadcast %slice3A_121 : vector<64x1xf32> to vector<64x768xf32>
    %lt3A_139 = arith.cmpf olt, %lt3A_137, %lt3A_138 : vector<64x768xf32>
    %or3A_140 = arith.ori %lt3A_139, %and3A_128 : vector<64x768xi1>
    %convert_element_type3A_141 = arith.extui %or3A_140 : vector<64x768xi1> to vector<64x768xi32>
    %reduce_sum3A_142 = arith.constant dense<0> : vector<64xi32>
    %reduce_sum3A_143 = vector.multi_reduction <add>, %convert_element_type3A_141, %reduce_sum3A_142 [1] : vector<64x768xi32> to vector<64xi32>
    %broadcast_in_dim3A_144 = vector.shape_cast %reduce_sum3A_143 : vector<64xi32> to vector<64x1xi32>
    %slice3A_145 = vector.extract_strided_slice %get3A_8 {offsets = [384, 0], sizes = [64, 1], strides = [1, 1]} : vector<768x1xf32> to vector<64x1xf32>
    %eq3A_146 = vector.broadcast %get3A_3 : vector<1x768xf32> to vector<64x768xf32>
    %eq3A_147 = vector.broadcast %slice3A_145 : vector<64x1xf32> to vector<64x768xf32>
    %eq3A_148 = arith.cmpf oeq, %eq3A_146, %eq3A_147 : vector<64x768xf32>
    %lt3A_149 = arith.constant 384 : i32
    %lt3A_150 = vector.broadcast %lt3A_149 : i32 to vector<64x768xi32>
    %lt3A_151 = arith.cmpi slt, %sub3A, %lt3A_150 : vector<64x768xi32>
    %and3A_152 = arith.andi %eq3A_148, %lt3A_151 : vector<64x768xi1>
    %gt3A_153 = vector.broadcast %get3A_3 : vector<1x768xf32> to vector<64x768xf32>
    %gt3A_154 = vector.broadcast %slice3A_145 : vector<64x1xf32> to vector<64x768xf32>
    %gt3A_155 = arith.cmpf ogt, %gt3A_153, %gt3A_154 : vector<64x768xf32>
    %or3A_156 = arith.ori %gt3A_155, %and3A_152 : vector<64x768xi1>
    %convert_element_type3A_157 = arith.extui %or3A_156 : vector<64x768xi1> to vector<64x768xi32>
    %reduce_sum3A_158 = arith.constant dense<0> : vector<64xi32>
    %reduce_sum3A_159 = vector.multi_reduction <add>, %convert_element_type3A_157, %reduce_sum3A_158 [1] : vector<64x768xi32> to vector<64xi32>
    %broadcast_in_dim3A_160 = vector.shape_cast %reduce_sum3A_159 : vector<64xi32> to vector<64x1xi32>
    %lt3A_161 = vector.broadcast %get3A_3 : vector<1x768xf32> to vector<64x768xf32>
    %lt3A_162 = vector.broadcast %slice3A_145 : vector<64x1xf32> to vector<64x768xf32>
    %lt3A_163 = arith.cmpf olt, %lt3A_161, %lt3A_162 : vector<64x768xf32>
    %or3A_164 = arith.ori %lt3A_163, %and3A_152 : vector<64x768xi1>
    %convert_element_type3A_165 = arith.extui %or3A_164 : vector<64x768xi1> to vector<64x768xi32>
    %reduce_sum3A_166 = arith.constant dense<0> : vector<64xi32>
    %reduce_sum3A_167 = vector.multi_reduction <add>, %convert_element_type3A_165, %reduce_sum3A_166 [1] : vector<64x768xi32> to vector<64xi32>
    %broadcast_in_dim3A_168 = vector.shape_cast %reduce_sum3A_167 : vector<64xi32> to vector<64x1xi32>
    %slice3A_169 = vector.extract_strided_slice %get3A_8 {offsets = [448, 0], sizes = [64, 1], strides = [1, 1]} : vector<768x1xf32> to vector<64x1xf32>
    %eq3A_170 = vector.broadcast %get3A_3 : vector<1x768xf32> to vector<64x768xf32>
    %eq3A_171 = vector.broadcast %slice3A_169 : vector<64x1xf32> to vector<64x768xf32>
    %eq3A_172 = arith.cmpf oeq, %eq3A_170, %eq3A_171 : vector<64x768xf32>
    %lt3A_173 = arith.constant 448 : i32
    %lt3A_174 = vector.broadcast %lt3A_173 : i32 to vector<64x768xi32>
    %lt3A_175 = arith.cmpi slt, %sub3A, %lt3A_174 : vector<64x768xi32>
    %and3A_176 = arith.andi %eq3A_172, %lt3A_175 : vector<64x768xi1>
    %gt3A_177 = vector.broadcast %get3A_3 : vector<1x768xf32> to vector<64x768xf32>
    %gt3A_178 = vector.broadcast %slice3A_169 : vector<64x1xf32> to vector<64x768xf32>
    %gt3A_179 = arith.cmpf ogt, %gt3A_177, %gt3A_178 : vector<64x768xf32>
    %or3A_180 = arith.ori %gt3A_179, %and3A_176 : vector<64x768xi1>
    %convert_element_type3A_181 = arith.extui %or3A_180 : vector<64x768xi1> to vector<64x768xi32>
    %reduce_sum3A_182 = arith.constant dense<0> : vector<64xi32>
    %reduce_sum3A_183 = vector.multi_reduction <add>, %convert_element_type3A_181, %reduce_sum3A_182 [1] : vector<64x768xi32> to vector<64xi32>
    %broadcast_in_dim3A_184 = vector.shape_cast %reduce_sum3A_183 : vector<64xi32> to vector<64x1xi32>
    %lt3A_185 = vector.broadcast %get3A_3 : vector<1x768xf32> to vector<64x768xf32>
    %lt3A_186 = vector.broadcast %slice3A_169 : vector<64x1xf32> to vector<64x768xf32>
    %lt3A_187 = arith.cmpf olt, %lt3A_185, %lt3A_186 : vector<64x768xf32>
    %or3A_188 = arith.ori %lt3A_187, %and3A_176 : vector<64x768xi1>
    %convert_element_type3A_189 = arith.extui %or3A_188 : vector<64x768xi1> to vector<64x768xi32>
    %reduce_sum3A_190 = arith.constant dense<0> : vector<64xi32>
    %reduce_sum3A_191 = vector.multi_reduction <add>, %convert_element_type3A_189, %reduce_sum3A_190 [1] : vector<64x768xi32> to vector<64xi32>
    %broadcast_in_dim3A_192 = vector.shape_cast %reduce_sum3A_191 : vector<64xi32> to vector<64x1xi32>
    %slice3A_193 = vector.extract_strided_slice %get3A_8 {offsets = [512, 0], sizes = [64, 1], strides = [1, 1]} : vector<768x1xf32> to vector<64x1xf32>
    %eq3A_194 = vector.broadcast %get3A_3 : vector<1x768xf32> to vector<64x768xf32>
    %eq3A_195 = vector.broadcast %slice3A_193 : vector<64x1xf32> to vector<64x768xf32>
    %eq3A_196 = arith.cmpf oeq, %eq3A_194, %eq3A_195 : vector<64x768xf32>
    %lt3A_197 = arith.constant 512 : i32
    %lt3A_198 = vector.broadcast %lt3A_197 : i32 to vector<64x768xi32>
    %lt3A_199 = arith.cmpi slt, %sub3A, %lt3A_198 : vector<64x768xi32>
    %and3A_200 = arith.andi %eq3A_196, %lt3A_199 : vector<64x768xi1>
    %gt3A_201 = vector.broadcast %get3A_3 : vector<1x768xf32> to vector<64x768xf32>
    %gt3A_202 = vector.broadcast %slice3A_193 : vector<64x1xf32> to vector<64x768xf32>
    %gt3A_203 = arith.cmpf ogt, %gt3A_201, %gt3A_202 : vector<64x768xf32>
    %or3A_204 = arith.ori %gt3A_203, %and3A_200 : vector<64x768xi1>
    %convert_element_type3A_205 = arith.extui %or3A_204 : vector<64x768xi1> to vector<64x768xi32>
    %reduce_sum3A_206 = arith.constant dense<0> : vector<64xi32>
    %reduce_sum3A_207 = vector.multi_reduction <add>, %convert_element_type3A_205, %reduce_sum3A_206 [1] : vector<64x768xi32> to vector<64xi32>
    %broadcast_in_dim3A_208 = vector.shape_cast %reduce_sum3A_207 : vector<64xi32> to vector<64x1xi32>
    %lt3A_209 = vector.broadcast %get3A_3 : vector<1x768xf32> to vector<64x768xf32>
    %lt3A_210 = vector.broadcast %slice3A_193 : vector<64x1xf32> to vector<64x768xf32>
    %lt3A_211 = arith.cmpf olt, %lt3A_209, %lt3A_210 : vector<64x768xf32>
    %or3A_212 = arith.ori %lt3A_211, %and3A_200 : vector<64x768xi1>
    %convert_element_type3A_213 = arith.extui %or3A_212 : vector<64x768xi1> to vector<64x768xi32>
    %reduce_sum3A_214 = arith.constant dense<0> : vector<64xi32>
    %reduce_sum3A_215 = vector.multi_reduction <add>, %convert_element_type3A_213, %reduce_sum3A_214 [1] : vector<64x768xi32> to vector<64xi32>
    %broadcast_in_dim3A_216 = vector.shape_cast %reduce_sum3A_215 : vector<64xi32> to vector<64x1xi32>
    %slice3A_217 = vector.extract_strided_slice %get3A_8 {offsets = [576, 0], sizes = [64, 1], strides = [1, 1]} : vector<768x1xf32> to vector<64x1xf32>
    %eq3A_218 = vector.broadcast %get3A_3 : vector<1x768xf32> to vector<64x768xf32>
    %eq3A_219 = vector.broadcast %slice3A_217 : vector<64x1xf32> to vector<64x768xf32>
    %eq3A_220 = arith.cmpf oeq, %eq3A_218, %eq3A_219 : vector<64x768xf32>
    %lt3A_221 = arith.constant 576 : i32
    %lt3A_222 = vector.broadcast %lt3A_221 : i32 to vector<64x768xi32>
    %lt3A_223 = arith.cmpi slt, %sub3A, %lt3A_222 : vector<64x768xi32>
    %and3A_224 = arith.andi %eq3A_220, %lt3A_223 : vector<64x768xi1>
    %gt3A_225 = vector.broadcast %get3A_3 : vector<1x768xf32> to vector<64x768xf32>
    %gt3A_226 = vector.broadcast %slice3A_217 : vector<64x1xf32> to vector<64x768xf32>
    %gt3A_227 = arith.cmpf ogt, %gt3A_225, %gt3A_226 : vector<64x768xf32>
    %or3A_228 = arith.ori %gt3A_227, %and3A_224 : vector<64x768xi1>
    %convert_element_type3A_229 = arith.extui %or3A_228 : vector<64x768xi1> to vector<64x768xi32>
    %reduce_sum3A_230 = arith.constant dense<0> : vector<64xi32>
    %reduce_sum3A_231 = vector.multi_reduction <add>, %convert_element_type3A_229, %reduce_sum3A_230 [1] : vector<64x768xi32> to vector<64xi32>
    %broadcast_in_dim3A_232 = vector.shape_cast %reduce_sum3A_231 : vector<64xi32> to vector<64x1xi32>
    %lt3A_233 = vector.broadcast %get3A_3 : vector<1x768xf32> to vector<64x768xf32>
    %lt3A_234 = vector.broadcast %slice3A_217 : vector<64x1xf32> to vector<64x768xf32>
    %lt3A_235 = arith.cmpf olt, %lt3A_233, %lt3A_234 : vector<64x768xf32>
    %or3A_236 = arith.ori %lt3A_235, %and3A_224 : vector<64x768xi1>
    %convert_element_type3A_237 = arith.extui %or3A_236 : vector<64x768xi1> to vector<64x768xi32>
    %reduce_sum3A_238 = arith.constant dense<0> : vector<64xi32>
    %reduce_sum3A_239 = vector.multi_reduction <add>, %convert_element_type3A_237, %reduce_sum3A_238 [1] : vector<64x768xi32> to vector<64xi32>
    %broadcast_in_dim3A_240 = vector.shape_cast %reduce_sum3A_239 : vector<64xi32> to vector<64x1xi32>
    %slice3A_241 = vector.extract_strided_slice %get3A_8 {offsets = [640, 0], sizes = [64, 1], strides = [1, 1]} : vector<768x1xf32> to vector<64x1xf32>
    %eq3A_242 = vector.broadcast %get3A_3 : vector<1x768xf32> to vector<64x768xf32>
    %eq3A_243 = vector.broadcast %slice3A_241 : vector<64x1xf32> to vector<64x768xf32>
    %eq3A_244 = arith.cmpf oeq, %eq3A_242, %eq3A_243 : vector<64x768xf32>
    %lt3A_245 = arith.constant 640 : i32
    %lt3A_246 = vector.broadcast %lt3A_245 : i32 to vector<64x768xi32>
    %lt3A_247 = arith.cmpi slt, %sub3A, %lt3A_246 : vector<64x768xi32>
    %and3A_248 = arith.andi %eq3A_244, %lt3A_247 : vector<64x768xi1>
    %gt3A_249 = vector.broadcast %get3A_3 : vector<1x768xf32> to vector<64x768xf32>
    %gt3A_250 = vector.broadcast %slice3A_241 : vector<64x1xf32> to vector<64x768xf32>
    %gt3A_251 = arith.cmpf ogt, %gt3A_249, %gt3A_250 : vector<64x768xf32>
    %or3A_252 = arith.ori %gt3A_251, %and3A_248 : vector<64x768xi1>
    %convert_element_type3A_253 = arith.extui %or3A_252 : vector<64x768xi1> to vector<64x768xi32>
    %reduce_sum3A_254 = arith.constant dense<0> : vector<64xi32>
    %reduce_sum3A_255 = vector.multi_reduction <add>, %convert_element_type3A_253, %reduce_sum3A_254 [1] : vector<64x768xi32> to vector<64xi32>
    %broadcast_in_dim3A_256 = vector.shape_cast %reduce_sum3A_255 : vector<64xi32> to vector<64x1xi32>
    %lt3A_257 = vector.broadcast %get3A_3 : vector<1x768xf32> to vector<64x768xf32>
    %lt3A_258 = vector.broadcast %slice3A_241 : vector<64x1xf32> to vector<64x768xf32>
    %lt3A_259 = arith.cmpf olt, %lt3A_257, %lt3A_258 : vector<64x768xf32>
    %or3A_260 = arith.ori %lt3A_259, %and3A_248 : vector<64x768xi1>
    %convert_element_type3A_261 = arith.extui %or3A_260 : vector<64x768xi1> to vector<64x768xi32>
    %reduce_sum3A_262 = arith.constant dense<0> : vector<64xi32>
    %reduce_sum3A_263 = vector.multi_reduction <add>, %convert_element_type3A_261, %reduce_sum3A_262 [1] : vector<64x768xi32> to vector<64xi32>
    %broadcast_in_dim3A_264 = vector.shape_cast %reduce_sum3A_263 : vector<64xi32> to vector<64x1xi32>
    %slice3A_265 = vector.extract_strided_slice %get3A_8 {offsets = [704, 0], sizes = [64, 1], strides = [1, 1]} : vector<768x1xf32> to vector<64x1xf32>
    %eq3A_266 = vector.broadcast %get3A_3 : vector<1x768xf32> to vector<64x768xf32>
    %eq3A_267 = vector.broadcast %slice3A_265 : vector<64x1xf32> to vector<64x768xf32>
    %eq3A_268 = arith.cmpf oeq, %eq3A_266, %eq3A_267 : vector<64x768xf32>
    %lt3A_269 = arith.constant 704 : i32
    %lt3A_270 = vector.broadcast %lt3A_269 : i32 to vector<64x768xi32>
    %lt3A_271 = arith.cmpi slt, %sub3A, %lt3A_270 : vector<64x768xi32>
    %and3A_272 = arith.andi %eq3A_268, %lt3A_271 : vector<64x768xi1>
    %gt3A_273 = vector.broadcast %get3A_3 : vector<1x768xf32> to vector<64x768xf32>
    %gt3A_274 = vector.broadcast %slice3A_265 : vector<64x1xf32> to vector<64x768xf32>
    %gt3A_275 = arith.cmpf ogt, %gt3A_273, %gt3A_274 : vector<64x768xf32>
    %or3A_276 = arith.ori %gt3A_275, %and3A_272 : vector<64x768xi1>
    %convert_element_type3A_277 = arith.extui %or3A_276 : vector<64x768xi1> to vector<64x768xi32>
    %reduce_sum3A_278 = arith.constant dense<0> : vector<64xi32>
    %reduce_sum3A_279 = vector.multi_reduction <add>, %convert_element_type3A_277, %reduce_sum3A_278 [1] : vector<64x768xi32> to vector<64xi32>
    %broadcast_in_dim3A_280 = vector.shape_cast %reduce_sum3A_279 : vector<64xi32> to vector<64x1xi32>
    %lt3A_281 = vector.broadcast %get3A_3 : vector<1x768xf32> to vector<64x768xf32>
    %lt3A_282 = vector.broadcast %slice3A_265 : vector<64x1xf32> to vector<64x768xf32>
    %lt3A_283 = arith.cmpf olt, %lt3A_281, %lt3A_282 : vector<64x768xf32>
    %or3A_284 = arith.ori %lt3A_283, %and3A_272 : vector<64x768xi1>
    %convert_element_type3A_285 = arith.extui %or3A_284 : vector<64x768xi1> to vector<64x768xi32>
    %reduce_sum3A_286 = arith.constant dense<0> : vector<64xi32>
    %reduce_sum3A_287 = vector.multi_reduction <add>, %convert_element_type3A_285, %reduce_sum3A_286 [1] : vector<64x768xi32> to vector<64xi32>
    %broadcast_in_dim3A_288 = vector.shape_cast %reduce_sum3A_287 : vector<64xi32> to vector<64x1xi32>
    %iota3A_289 = tpu.iota {dimensions = array<i32: 1>} : vector<64x640xi32>
    %iota3A_290 = tpu.iota {dimensions = array<i32: 0>} : vector<64x640xi32>
    %broadcast_in_dim3A_291 = arith.constant 0 : i32
    %broadcast_in_dim3A_292 = vector.broadcast %broadcast_in_dim3A_291 : i32 to vector<1x640xi32>
    %eq3A_293 = vector.broadcast %broadcast_in_dim3A : vector<64x1xi32> to vector<64x640xi32>
    %eq3A_294 = arith.cmpi eq, %eq3A_293, %iota3A_289 : vector<64x640xi32>
    %add3A = arith.constant 0 : i32
    %add3A_295 = vector.broadcast %add3A : i32 to vector<64x640xi32>
    %add3A_296 = arith.addi %iota3A_290, %add3A_295 : vector<64x640xi32>
    %jit3A = arith.constant 0 : i32
    %broadcast_in_dim3A_297 = vector.broadcast %jit3A : i32 to vector<64x640xi32>
    %select_n3A = arith.select %eq3A_294, %add3A_296, %broadcast_in_dim3A_297 : vector<64x640xi1>, vector<64x640xi32>
    %reduce_sum3A_298 = arith.constant dense<0> : vector<640xi32>
    %reduce_sum3A_299 = vector.multi_reduction <add>, %select_n3A, %reduce_sum3A_298 [0] : vector<64x640xi32> to vector<640xi32>
    %broadcast_in_dim3A_300 = vector.shape_cast %reduce_sum3A_299 : vector<640xi32> to vector<1x640xi32>
    %add3A_301 = arith.addi %broadcast_in_dim3A_292, %broadcast_in_dim3A_300 : vector<1x640xi32>
    %eq3A_302 = vector.broadcast %broadcast_in_dim3A_40 : vector<64x1xi32> to vector<64x640xi32>
    %eq3A_303 = arith.cmpi eq, %eq3A_302, %iota3A_289 : vector<64x640xi32>
    %add3A_304 = arith.constant 64 : i32
    %add3A_305 = vector.broadcast %add3A_304 : i32 to vector<64x640xi32>
    %add3A_306 = arith.addi %iota3A_290, %add3A_305 : vector<64x640xi32>
    %jit3A_307 = arith.constant 0 : i32
    %broadcast_in_dim3A_308 = vector.broadcast %jit3A_307 : i32 to vector<64x640xi32>
    %select_n3A_309 = arith.select %eq3A_303, %add3A_306, %broadcast_in_dim3A_308 : vector<64x640xi1>, vector<64x640xi32>
    %reduce_sum3A_310 = arith.constant dense<0> : vector<640xi32>
    %reduce_sum3A_311 = vector.multi_reduction <add>, %select_n3A_309, %reduce_sum3A_310 [0] : vector<64x640xi32> to vector<640xi32>
    %broadcast_in_dim3A_312 = vector.shape_cast %reduce_sum3A_311 : vector<640xi32> to vector<1x640xi32>
    %add3A_313 = arith.addi %add3A_301, %broadcast_in_dim3A_312 : vector<1x640xi32>
    %eq3A_314 = vector.broadcast %broadcast_in_dim3A_64 : vector<64x1xi32> to vector<64x640xi32>
    %eq3A_315 = arith.cmpi eq, %eq3A_314, %iota3A_289 : vector<64x640xi32>
    %add3A_316 = arith.constant 128 : i32
    %add3A_317 = vector.broadcast %add3A_316 : i32 to vector<64x640xi32>
    %add3A_318 = arith.addi %iota3A_290, %add3A_317 : vector<64x640xi32>
    %jit3A_319 = arith.constant 0 : i32
    %broadcast_in_dim3A_320 = vector.broadcast %jit3A_319 : i32 to vector<64x640xi32>
    %select_n3A_321 = arith.select %eq3A_315, %add3A_318, %broadcast_in_dim3A_320 : vector<64x640xi1>, vector<64x640xi32>
    %reduce_sum3A_322 = arith.constant dense<0> : vector<640xi32>
    %reduce_sum3A_323 = vector.multi_reduction <add>, %select_n3A_321, %reduce_sum3A_322 [0] : vector<64x640xi32> to vector<640xi32>
    %broadcast_in_dim3A_324 = vector.shape_cast %reduce_sum3A_323 : vector<640xi32> to vector<1x640xi32>
    %add3A_325 = arith.addi %add3A_313, %broadcast_in_dim3A_324 : vector<1x640xi32>
    %eq3A_326 = vector.broadcast %broadcast_in_dim3A_88 : vector<64x1xi32> to vector<64x640xi32>
    %eq3A_327 = arith.cmpi eq, %eq3A_326, %iota3A_289 : vector<64x640xi32>
    %add3A_328 = arith.constant 192 : i32
    %add3A_329 = vector.broadcast %add3A_328 : i32 to vector<64x640xi32>
    %add3A_330 = arith.addi %iota3A_290, %add3A_329 : vector<64x640xi32>
    %jit3A_331 = arith.constant 0 : i32
    %broadcast_in_dim3A_332 = vector.broadcast %jit3A_331 : i32 to vector<64x640xi32>
    %select_n3A_333 = arith.select %eq3A_327, %add3A_330, %broadcast_in_dim3A_332 : vector<64x640xi1>, vector<64x640xi32>
    %reduce_sum3A_334 = arith.constant dense<0> : vector<640xi32>
    %reduce_sum3A_335 = vector.multi_reduction <add>, %select_n3A_333, %reduce_sum3A_334 [0] : vector<64x640xi32> to vector<640xi32>
    %broadcast_in_dim3A_336 = vector.shape_cast %reduce_sum3A_335 : vector<640xi32> to vector<1x640xi32>
    %add3A_337 = arith.addi %add3A_325, %broadcast_in_dim3A_336 : vector<1x640xi32>
    %eq3A_338 = vector.broadcast %broadcast_in_dim3A_112 : vector<64x1xi32> to vector<64x640xi32>
    %eq3A_339 = arith.cmpi eq, %eq3A_338, %iota3A_289 : vector<64x640xi32>
    %add3A_340 = arith.constant 256 : i32
    %add3A_341 = vector.broadcast %add3A_340 : i32 to vector<64x640xi32>
    %add3A_342 = arith.addi %iota3A_290, %add3A_341 : vector<64x640xi32>
    %jit3A_343 = arith.constant 0 : i32
    %broadcast_in_dim3A_344 = vector.broadcast %jit3A_343 : i32 to vector<64x640xi32>
    %select_n3A_345 = arith.select %eq3A_339, %add3A_342, %broadcast_in_dim3A_344 : vector<64x640xi1>, vector<64x640xi32>
    %reduce_sum3A_346 = arith.constant dense<0> : vector<640xi32>
    %reduce_sum3A_347 = vector.multi_reduction <add>, %select_n3A_345, %reduce_sum3A_346 [0] : vector<64x640xi32> to vector<640xi32>
    %broadcast_in_dim3A_348 = vector.shape_cast %reduce_sum3A_347 : vector<640xi32> to vector<1x640xi32>
    %add3A_349 = arith.addi %add3A_337, %broadcast_in_dim3A_348 : vector<1x640xi32>
    %eq3A_350 = vector.broadcast %broadcast_in_dim3A_136 : vector<64x1xi32> to vector<64x640xi32>
    %eq3A_351 = arith.cmpi eq, %eq3A_350, %iota3A_289 : vector<64x640xi32>
    %add3A_352 = arith.constant 320 : i32
    %add3A_353 = vector.broadcast %add3A_352 : i32 to vector<64x640xi32>
    %add3A_354 = arith.addi %iota3A_290, %add3A_353 : vector<64x640xi32>
    %jit3A_355 = arith.constant 0 : i32
    %broadcast_in_dim3A_356 = vector.broadcast %jit3A_355 : i32 to vector<64x640xi32>
    %select_n3A_357 = arith.select %eq3A_351, %add3A_354, %broadcast_in_dim3A_356 : vector<64x640xi1>, vector<64x640xi32>
    %reduce_sum3A_358 = arith.constant dense<0> : vector<640xi32>
    %reduce_sum3A_359 = vector.multi_reduction <add>, %select_n3A_357, %reduce_sum3A_358 [0] : vector<64x640xi32> to vector<640xi32>
    %broadcast_in_dim3A_360 = vector.shape_cast %reduce_sum3A_359 : vector<640xi32> to vector<1x640xi32>
    %add3A_361 = arith.addi %add3A_349, %broadcast_in_dim3A_360 : vector<1x640xi32>
    %eq3A_362 = vector.broadcast %broadcast_in_dim3A_160 : vector<64x1xi32> to vector<64x640xi32>
    %eq3A_363 = arith.cmpi eq, %eq3A_362, %iota3A_289 : vector<64x640xi32>
    %add3A_364 = arith.constant 384 : i32
    %add3A_365 = vector.broadcast %add3A_364 : i32 to vector<64x640xi32>
    %add3A_366 = arith.addi %iota3A_290, %add3A_365 : vector<64x640xi32>
    %jit3A_367 = arith.constant 0 : i32
    %broadcast_in_dim3A_368 = vector.broadcast %jit3A_367 : i32 to vector<64x640xi32>
    %select_n3A_369 = arith.select %eq3A_363, %add3A_366, %broadcast_in_dim3A_368 : vector<64x640xi1>, vector<64x640xi32>
    %reduce_sum3A_370 = arith.constant dense<0> : vector<640xi32>
    %reduce_sum3A_371 = vector.multi_reduction <add>, %select_n3A_369, %reduce_sum3A_370 [0] : vector<64x640xi32> to vector<640xi32>
    %broadcast_in_dim3A_372 = vector.shape_cast %reduce_sum3A_371 : vector<640xi32> to vector<1x640xi32>
    %add3A_373 = arith.addi %add3A_361, %broadcast_in_dim3A_372 : vector<1x640xi32>
    %eq3A_374 = vector.broadcast %broadcast_in_dim3A_184 : vector<64x1xi32> to vector<64x640xi32>
    %eq3A_375 = arith.cmpi eq, %eq3A_374, %iota3A_289 : vector<64x640xi32>
    %add3A_376 = arith.constant 448 : i32
    %add3A_377 = vector.broadcast %add3A_376 : i32 to vector<64x640xi32>
    %add3A_378 = arith.addi %iota3A_290, %add3A_377 : vector<64x640xi32>
    %jit3A_379 = arith.constant 0 : i32
    %broadcast_in_dim3A_380 = vector.broadcast %jit3A_379 : i32 to vector<64x640xi32>
    %select_n3A_381 = arith.select %eq3A_375, %add3A_378, %broadcast_in_dim3A_380 : vector<64x640xi1>, vector<64x640xi32>
    %reduce_sum3A_382 = arith.constant dense<0> : vector<640xi32>
    %reduce_sum3A_383 = vector.multi_reduction <add>, %select_n3A_381, %reduce_sum3A_382 [0] : vector<64x640xi32> to vector<640xi32>
    %broadcast_in_dim3A_384 = vector.shape_cast %reduce_sum3A_383 : vector<640xi32> to vector<1x640xi32>
    %add3A_385 = arith.addi %add3A_373, %broadcast_in_dim3A_384 : vector<1x640xi32>
    %eq3A_386 = vector.broadcast %broadcast_in_dim3A_208 : vector<64x1xi32> to vector<64x640xi32>
    %eq3A_387 = arith.cmpi eq, %eq3A_386, %iota3A_289 : vector<64x640xi32>
    %add3A_388 = arith.constant 512 : i32
    %add3A_389 = vector.broadcast %add3A_388 : i32 to vector<64x640xi32>
    %add3A_390 = arith.addi %iota3A_290, %add3A_389 : vector<64x640xi32>
    %jit3A_391 = arith.constant 0 : i32
    %broadcast_in_dim3A_392 = vector.broadcast %jit3A_391 : i32 to vector<64x640xi32>
    %select_n3A_393 = arith.select %eq3A_387, %add3A_390, %broadcast_in_dim3A_392 : vector<64x640xi1>, vector<64x640xi32>
    %reduce_sum3A_394 = arith.constant dense<0> : vector<640xi32>
    %reduce_sum3A_395 = vector.multi_reduction <add>, %select_n3A_393, %reduce_sum3A_394 [0] : vector<64x640xi32> to vector<640xi32>
    %broadcast_in_dim3A_396 = vector.shape_cast %reduce_sum3A_395 : vector<640xi32> to vector<1x640xi32>
    %add3A_397 = arith.addi %add3A_385, %broadcast_in_dim3A_396 : vector<1x640xi32>
    %eq3A_398 = vector.broadcast %broadcast_in_dim3A_232 : vector<64x1xi32> to vector<64x640xi32>
    %eq3A_399 = arith.cmpi eq, %eq3A_398, %iota3A_289 : vector<64x640xi32>
    %add3A_400 = arith.constant 576 : i32
    %add3A_401 = vector.broadcast %add3A_400 : i32 to vector<64x640xi32>
    %add3A_402 = arith.addi %iota3A_290, %add3A_401 : vector<64x640xi32>
    %jit3A_403 = arith.constant 0 : i32
    %broadcast_in_dim3A_404 = vector.broadcast %jit3A_403 : i32 to vector<64x640xi32>
    %select_n3A_405 = arith.select %eq3A_399, %add3A_402, %broadcast_in_dim3A_404 : vector<64x640xi1>, vector<64x640xi32>
    %reduce_sum3A_406 = arith.constant dense<0> : vector<640xi32>
    %reduce_sum3A_407 = vector.multi_reduction <add>, %select_n3A_405, %reduce_sum3A_406 [0] : vector<64x640xi32> to vector<640xi32>
    %broadcast_in_dim3A_408 = vector.shape_cast %reduce_sum3A_407 : vector<640xi32> to vector<1x640xi32>
    %add3A_409 = arith.addi %add3A_397, %broadcast_in_dim3A_408 : vector<1x640xi32>
    %eq3A_410 = vector.broadcast %broadcast_in_dim3A_256 : vector<64x1xi32> to vector<64x640xi32>
    %eq3A_411 = arith.cmpi eq, %eq3A_410, %iota3A_289 : vector<64x640xi32>
    %add3A_412 = arith.constant 640 : i32
    %add3A_413 = vector.broadcast %add3A_412 : i32 to vector<64x640xi32>
    %add3A_414 = arith.addi %iota3A_290, %add3A_413 : vector<64x640xi32>
    %jit3A_415 = arith.constant 0 : i32
    %broadcast_in_dim3A_416 = vector.broadcast %jit3A_415 : i32 to vector<64x640xi32>
    %select_n3A_417 = arith.select %eq3A_411, %add3A_414, %broadcast_in_dim3A_416 : vector<64x640xi1>, vector<64x640xi32>
    %reduce_sum3A_418 = arith.constant dense<0> : vector<640xi32>
    %reduce_sum3A_419 = vector.multi_reduction <add>, %select_n3A_417, %reduce_sum3A_418 [0] : vector<64x640xi32> to vector<640xi32>
    %broadcast_in_dim3A_420 = vector.shape_cast %reduce_sum3A_419 : vector<640xi32> to vector<1x640xi32>
    %add3A_421 = arith.addi %add3A_409, %broadcast_in_dim3A_420 : vector<1x640xi32>
    %eq3A_422 = vector.broadcast %broadcast_in_dim3A_280 : vector<64x1xi32> to vector<64x640xi32>
    %eq3A_423 = arith.cmpi eq, %eq3A_422, %iota3A_289 : vector<64x640xi32>
    %add3A_424 = arith.constant 704 : i32
    %add3A_425 = vector.broadcast %add3A_424 : i32 to vector<64x640xi32>
    %add3A_426 = arith.addi %iota3A_290, %add3A_425 : vector<64x640xi32>
    %jit3A_427 = arith.constant 0 : i32
    %broadcast_in_dim3A_428 = vector.broadcast %jit3A_427 : i32 to vector<64x640xi32>
    %select_n3A_429 = arith.select %eq3A_423, %add3A_426, %broadcast_in_dim3A_428 : vector<64x640xi1>, vector<64x640xi32>
    %reduce_sum3A_430 = arith.constant dense<0> : vector<640xi32>
    %reduce_sum3A_431 = vector.multi_reduction <add>, %select_n3A_429, %reduce_sum3A_430 [0] : vector<64x640xi32> to vector<640xi32>
    %broadcast_in_dim3A_432 = vector.shape_cast %reduce_sum3A_431 : vector<640xi32> to vector<1x640xi32>
    %add3A_433 = arith.addi %add3A_421, %broadcast_in_dim3A_432 : vector<1x640xi32>
    %mul3A = arith.constant 768 : i32
    %mul3A_434 = arith.muli %arg0, %mul3A : i32
    %add3A_435 = vector.broadcast %mul3A_434 : i32 to vector<1x640xi32>
    %add3A_436 = arith.addi %add3A_433, %add3A_435 : vector<1x640xi32>
    %swap3A = arith.constant 0 : index
    %swap3A_437 = arith.constant 0 : index
    %swap3A_438 = arith.constant 0 : index
    %swap3A_439 = vector.load %arg7[%swap3A, %swap3A_437, %swap3A_438] : memref<1x1x640xi32, #tpu.memory_space<vmem>>, vector<1x1x640xi32>
    %swap3A_440 = vector.shape_cast %swap3A_439 : vector<1x1x640xi32> to vector<1x640xi32>
    %swap3A_441 = vector.shape_cast %add3A_436 : vector<1x640xi32> to vector<1x1x640xi32>
    tpu.vector_store %arg7[%swap3A, %swap3A_437, %swap3A_438], %swap3A_441 {strides = array<i32>} : memref<1x1x640xi32, #tpu.memory_space<vmem>>, vector<1x1x640xi32>,
    %iota3A_442 = tpu.iota {dimensions = array<i32: 1>} : vector<64x154xi32>
    %eq3A_443 = vector.broadcast %broadcast_in_dim3A_24 : vector<64x1xi32> to vector<64x154xi32>
    %eq3A_444 = arith.cmpi eq, %eq3A_443, %iota3A_442 : vector<64x154xi32>
    %convert_element_type3A_445 = arith.extui %eq3A_444 : vector<64x154xi1> to vector<64x154xi32>
    %convert_element_type3A_446 = arith.sitofp %convert_element_type3A_445 : vector<64x154xi32> to vector<64x154xf32>
    %eq3A_447 = vector.broadcast %broadcast_in_dim3A_48 : vector<64x1xi32> to vector<64x154xi32>
    %eq3A_448 = arith.cmpi eq, %eq3A_447, %iota3A_442 : vector<64x154xi32>
    %convert_element_type3A_449 = arith.extui %eq3A_448 : vector<64x154xi1> to vector<64x154xi32>
    %convert_element_type3A_450 = arith.sitofp %convert_element_type3A_449 : vector<64x154xi32> to vector<64x154xf32>
    %eq3A_451 = vector.broadcast %broadcast_in_dim3A_72 : vector<64x1xi32> to vector<64x154xi32>
    %eq3A_452 = arith.cmpi eq, %eq3A_451, %iota3A_442 : vector<64x154xi32>
    %convert_element_type3A_453 = arith.extui %eq3A_452 : vector<64x154xi1> to vector<64x154xi32>
    %convert_element_type3A_454 = arith.sitofp %convert_element_type3A_453 : vector<64x154xi32> to vector<64x154xf32>
    %eq3A_455 = vector.broadcast %broadcast_in_dim3A_96 : vector<64x1xi32> to vector<64x154xi32>
    %eq3A_456 = arith.cmpi eq, %eq3A_455, %iota3A_442 : vector<64x154xi32>
    %convert_element_type3A_457 = arith.extui %eq3A_456 : vector<64x154xi1> to vector<64x154xi32>
    %convert_element_type3A_458 = arith.sitofp %convert_element_type3A_457 : vector<64x154xi32> to vector<64x154xf32>
    %eq3A_459 = vector.broadcast %broadcast_in_dim3A_120 : vector<64x1xi32> to vector<64x154xi32>
    %eq3A_460 = arith.cmpi eq, %eq3A_459, %iota3A_442 : vector<64x154xi32>
    %convert_element_type3A_461 = arith.extui %eq3A_460 : vector<64x154xi1> to vector<64x154xi32>
    %convert_element_type3A_462 = arith.sitofp %convert_element_type3A_461 : vector<64x154xi32> to vector<64x154xf32>
    %eq3A_463 = vector.broadcast %broadcast_in_dim3A_144 : vector<64x1xi32> to vector<64x154xi32>
    %eq3A_464 = arith.cmpi eq, %eq3A_463, %iota3A_442 : vector<64x154xi32>
    %convert_element_type3A_465 = arith.extui %eq3A_464 : vector<64x154xi1> to vector<64x154xi32>
    %convert_element_type3A_466 = arith.sitofp %convert_element_type3A_465 : vector<64x154xi32> to vector<64x154xf32>
    %eq3A_467 = vector.broadcast %broadcast_in_dim3A_168 : vector<64x1xi32> to vector<64x154xi32>
    %eq3A_468 = arith.cmpi eq, %eq3A_467, %iota3A_442 : vector<64x154xi32>
    %convert_element_type3A_469 = arith.extui %eq3A_468 : vector<64x154xi1> to vector<64x154xi32>
    %convert_element_type3A_470 = arith.sitofp %convert_element_type3A_469 : vector<64x154xi32> to vector<64x154xf32>
    %eq3A_471 = vector.broadcast %broadcast_in_dim3A_192 : vector<64x1xi32> to vector<64x154xi32>
    %eq3A_472 = arith.cmpi eq, %eq3A_471, %iota3A_442 : vector<64x154xi32>
    %convert_element_type3A_473 = arith.extui %eq3A_472 : vector<64x154xi1> to vector<64x154xi32>
    %convert_element_type3A_474 = arith.sitofp %convert_element_type3A_473 : vector<64x154xi32> to vector<64x154xf32>
    %eq3A_475 = vector.broadcast %broadcast_in_dim3A_216 : vector<64x1xi32> to vector<64x154xi32>
    %eq3A_476 = arith.cmpi eq, %eq3A_475, %iota3A_442 : vector<64x154xi32>
    %convert_element_type3A_477 = arith.extui %eq3A_476 : vector<64x154xi1> to vector<64x154xi32>
    %convert_element_type3A_478 = arith.sitofp %convert_element_type3A_477 : vector<64x154xi32> to vector<64x154xf32>
    %eq3A_479 = vector.broadcast %broadcast_in_dim3A_240 : vector<64x1xi32> to vector<64x154xi32>
    %eq3A_480 = arith.cmpi eq, %eq3A_479, %iota3A_442 : vector<64x154xi32>
    %convert_element_type3A_481 = arith.extui %eq3A_480 : vector<64x154xi1> to vector<64x154xi32>
    %convert_element_type3A_482 = arith.sitofp %convert_element_type3A_481 : vector<64x154xi32> to vector<64x154xf32>
    %eq3A_483 = vector.broadcast %broadcast_in_dim3A_264 : vector<64x1xi32> to vector<64x154xi32>
    %eq3A_484 = arith.cmpi eq, %eq3A_483, %iota3A_442 : vector<64x154xi32>
    %convert_element_type3A_485 = arith.extui %eq3A_484 : vector<64x154xi1> to vector<64x154xi32>
    %convert_element_type3A_486 = arith.sitofp %convert_element_type3A_485 : vector<64x154xi32> to vector<64x154xf32>
    %eq3A_487 = vector.broadcast %broadcast_in_dim3A_288 : vector<64x1xi32> to vector<64x154xi32>
    %eq3A_488 = arith.cmpi eq, %eq3A_487, %iota3A_442 : vector<64x154xi32>
    %convert_element_type3A_489 = arith.extui %eq3A_488 : vector<64x154xi1> to vector<64x154xi32>
    %convert_element_type3A_490 = arith.sitofp %convert_element_type3A_489 : vector<64x154xi32> to vector<64x154xf32>
    %concatenate3A = tpu.concatenate %convert_element_type3A_446, %convert_element_type3A_450, %convert_element_type3A_454, %convert_element_type3A_458, %convert_element_type3A_462, %convert_element_type3A_466, %convert_element_type3A_470, %convert_element_type3A_474, %convert_element_type3A_478, %convert_element_type3A_482, %convert_element_type3A_486, %convert_element_type3A_490 in 0 : vector<64x154xf32>, vector<64x154xf32>, vector<64x154xf32>, vector<64x154xf32>, vector<64x154xf32>, vector<64x154xf32>, vector<64x154xf32>, vector<64x154xf32>, vector<64x154xf32>, vector<64x154xf32>, vector<64x154xf32>, vector<64x154xf32> -> vector<768x154xf32>
    %get3A_491 = arith.constant 0 : index
    %get3A_492 = arith.constant 0 : index
    %get3A_493 = vector.load %arg3[%get3A_491, %get3A_492] : memref<154x154xf32, #tpu.memory_space<vmem>>, vector<154x154xf32>
    %dot_general3A = arith.constant dense<0.000000e+00> : vector<768x154xf32>
    %dot_general3A_494 = tpu.matmul %concatenate3A, %get3A_493, %dot_general3A {dimension_numbers = #tpu.dot_dimension_numbers<[1], [1], [0], [0], [0, 0, 1, 0], [], []>, transpose_lhs_hint = false} : vector<768x154xf32>, vector<154x154xf32>, vector<768x154xf32> -> vector<768x154xf32>
    %get3A_495 = arith.constant 0 : index
    %get3A_496 = arith.constant 0 : index
    %get3A_497 = arith.constant 0 : index
    %get3A_498 = vector.load %arg5[%get3A_495, %get3A_496, %get3A_497] : memref<1x768x784xf32, #tpu.memory_space<vmem>>, vector<1x768x784xf32>
    %get3A_499 = vector.shape_cast %get3A_498 : vector<1x768x784xf32> to vector<768x784xf32>
    %dot_general3A_500 = arith.constant dense<0.000000e+00> : vector<154x784xf32>
    %dot_general3A_501 = tpu.matmul %dot_general3A_494, %get3A_499, %dot_general3A_500 {dimension_numbers = #tpu.dot_dimension_numbers<[0], [0], [1], [1], [0, 1, 1, 1], [], []>, transpose_lhs_hint = false} : vector<768x154xf32>, vector<768x784xf32>, vector<154x784xf32> -> vector<154x784xf32>
    %get3A_502 = arith.constant 0 : index
    %get3A_503 = arith.constant 0 : index
    %get3A_504 = vector.load %arg4[%get3A_502, %get3A_503] : memref<154x1xf32, #tpu.memory_space<vmem>>, vector<154x1xf32>
    %add3A_505 = vector.broadcast %get3A_504 : vector<154x1xf32> to vector<154x784xf32>
    %add3A_506 = arith.addf %dot_general3A_501, %add3A_505 : vector<154x784xf32>
    %swap3A_507 = arith.constant 0 : index
    %swap3A_508 = arith.constant 0 : index
    %swap3A_509 = arith.constant 0 : index
    %swap3A_510 = vector.load %arg6[%swap3A_507, %swap3A_508, %swap3A_509] : memref<1x154x784xf32, #tpu.memory_space<vmem>>, vector<1x154x784xf32>
    %swap3A_511 = vector.shape_cast %swap3A_510 : vector<1x154x784xf32> to vector<154x784xf32>
    %swap3A_512 = vector.shape_cast %add3A_506 : vector<154x784xf32> to vector<1x154x784xf32>
    tpu.vector_store %arg6[%swap3A_507, %swap3A_508, %swap3A_509], %swap3A_512 {strides = array<i32>} : memref<1x154x784xf32, #tpu.memory_space<vmem>>, vector<1x154x784xf32>,
    return
  }
  func.func @transform_0(%arg0: i32) -> (i32, i32, i32) {
    %c0_i32 = arith.constant 0 : i32
    %c0_i32_0 = arith.constant 0 : i32
    %c0_i32_1 = arith.constant 0 : i32
    return %arg0, %c0_i32, %c0_i32_0 : i32, i32, i32
  }
  func.func @transform_1(%arg0: i32) -> (i32, i32, i32) {
    %c0_i32 = arith.constant 0 : i32
    %c0_i32_0 = arith.constant 0 : i32
    %c0_i32_1 = arith.constant 0 : i32
    return %arg0, %c0_i32, %c0_i32_0 : i32, i32, i32
  }
  func.func @transform_2(%arg0: i32) -> (i32, i32) {
    %c0_i32 = arith.constant 0 : i32
    %c0_i32_0 = arith.constant 0 : i32
    %c0_i32_1 = arith.constant 0 : i32
    return %c0_i32, %c0_i32_0 : i32, i32
  }
  func.func @transform_3(%arg0: i32) -> (i32, i32) {
    %c0_i32 = arith.constant 0 : i32
    %c0_i32_0 = arith.constant 0 : i32
    %c0_i32_1 = arith.constant 0 : i32
    return %c0_i32, %c0_i32_0 : i32, i32
  }
  func.func @transform_4(%arg0: i32) -> (i32, i32, i32) {
    %c0_i32 = arith.constant 0 : i32
    %c0_i32_0 = arith.constant 0 : i32
    %c0_i32_1 = arith.constant 0 : i32
    return %arg0, %c0_i32, %c0_i32_0 : i32, i32, i32
  }
  func.func @transform_5(%arg0: i32) -> (i32, i32, i32) {
    %c0_i32 = arith.constant 0 : i32
    %c0_i32_0 = arith.constant 0 : i32
    %c0_i32_1 = arith.constant 0 : i32
    return %arg0, %c0_i32, %c0_i32_0 : i32, i32, i32
  }
  func.func @transform_6(%arg0: i32) -> (i32, i32, i32) {
    %c0_i32 = arith.constant 0 : i32
    %c0_i32_0 = arith.constant 0 : i32
    %c0_i32_1 = arith.constant 0 : i32
    return %arg0, %c0_i32, %c0_i32_0 : i32, i32, i32
  }
}

</mosaic_0001>

<sc_bundles>
// kernel: kernel.4.cloned.1.call-start
scs
__scs_entry_jumppad:
0x0: {  	(pc) =	sbr.rel $0x88, $3  }
0x1: {  	(tag) =	ssettag $0x0;
	lr =	simm.s32 $0x1  }
0x2: {  	[smem:$0x3F9E] =	sst lr;
	_ =	strace $0xD0000000  }
0x3: {  	_ = 	snop  }
0x4: {  	_ = 	snop  }
0x5: {  	_ = 	snop  }
0x6: {  	_ = 	snop  }
0x7: {  	_ = 	snop  }
__scs_overlays_trampoline_lowered:
0x8: {  	[smem:$0x3FAD] =	sst s0  }
0x9: {  	[smem:$0x3FAE] =	sst s1  }
0xa: {  	[smem:$0x3FAF] =	sst s2  }
0xb: {  	[smem:$0x3FB0] =	sst s3  }
0xc: {  	[smem:$0x3FB1] =	sst s4  }
0xd: {  	[smem:$0x3FB2] =	sst s5  }
0xe: {  	[smem:$0x3FB3] =	sst s6  }
0xf: {  	[smem:$0x3FB4] =	sst s7  }
0x10: {  	[smem:$0x3FB5] =	sst s8  }
0x11: {  	[smem:$0x3FB6] =	sst s9;
	s0 =	simm.s32 @!p0 $0x0  }
0x12: {  	s1 =	sld [smem:$0x3F9C];
	s0 =	simm.s32 @p0 $0x1  }
0x13: {  	[smem:$0x3FB7] =	sst s0;
	s0 =	simm.s32 @!p1 $0x0  }
0x14: {  	s2 =	sld [smem:$0x3F9B];
	s0 =	simm.s32 @p1 $0x1  }
0x15: {  	[smem:$0x3FB8] =	sst s0;
	s0 =	simm.s32 @!p2 $0x0  }
0x16: {  	s3 =	sld [smem:$0x3FDB];
	s0 =	simm.s32 @p2 $0x1  }
0x17: {  	s4 =	simm.s32 $0x1BF5;
	[smem:$0x3FBA] =	sst s0  }
0x18: {  	s0 =	sld [smem:$0x3F9D];
	_ =	swait.ge [sflag:s4], $0x0  }
0x19: {  	s7 =	sld [smem:$0x3F9E]  }
0x1a: {  	s8 =	sadd.s32 $0xFFFFE003, lr  }
0x1b: {  	s9 =	sadd.s32 $0xFFFFFEF7, lr;
	s5 =	simm.s32 $0xFFFFFFFF;
	p2 =	slt.u32 s8, $0xFFFFF086  }
0x1c: {  	p1 =	slt.u32 s9, $0xF7A;
	s5 =	simm.s32 @!p2 $0x0  }
0x1d: {  	s5 =	simm.s32 @p1 $0x1;
	p0 =	seq.s32 s7, s2  }
0x1e: {  	s7 =	smul.u32 @!p0 $0xF7A, s2;
	p2 =	seq.s32 @!p0 s5, $0x0  }
0x1f: {  	s9 =	smul.u32 $0xF7A, s1;
	s8 =	simm.s32 @!p0 $0x1BF5;
	p2 =	por !p2, p0  }
0x20: {  	[sflag:s8] =	ssyncset.s32 @!p0 $0xFFFFF086;
	s6 =	sadd.s32 @!p0 s3, s7;
	s7 =	simm.s32 @!p0 $0x108  }
0x21: {  	s3 =	sadd.s32 s3, s9;
	s6 =	sadd.s32 @!p0 $0x88, s6;
	s7 =	simm.s32 @p2 $0x1082  }
0x22: {  	[simem:s7], [sflag:s8] =	dma.local @!p0 [hbm:s6], $0xF7A  }
0x23: {  	s9 =	sor.u32 $0xD0000000, s2;
	s6 =	simm.s32 $0x108;
	_ =	swait.ge @!p0 [sflag:s8], $0x0  }
0x24: {  	s3 =	sadd.s32 $0x88, s3;
	s6 =	simm.s32 @!p1 $0x1082;
	[sflag:s4] =	ssyncset.s32 $0xFFFFF086  }
0x25: {  	[simem:s6], [sflag:s4] =	dma.local [hbm:s3], $0xF7A  }
0x26: {  	[smem:$0x3F9E] =	sst s1;
	(tag) =	ssettag s2;
	_ =	strace s9  }
0x27: {  	s1 =	sld [smem:$0x3FAE]  }
0x28: {  	s2 =	sld [smem:$0x3FAF]  }
0x29: {  	s4 =	sld [smem:$0x3FB1]  }
0x2a: {  	p0 =	seq.s32 s5, $0x0;
	s5 =	sld [smem:$0x3FB2]  }
0x2b: {  	s6 =	sld [smem:$0x3FB3]  }
0x2c: {  	s7 =	sld [smem:$0x3FB4]  }
0x2d: {  	s3 =	simm.s32 $0x108;
	s8 =	sld [smem:$0x3FB5]  }
0x2e: {  	s3 =	simm.s32 @!p0 $0x1082;
	s9 =	sld [smem:$0x3FB6]  }
0x2f: {  	lr =	sadd.s32 s0, s3;
	s0 =	sld [smem:$0x3FAD]  }
0x30: {  	s3 =	sld [smem:$0x3FB0]  }
0x31: {  	[smem:$0x3FB9] =	sst s10  }
0x32: {  	s10 =	sld [smem:$0x3FB7];
	_ =	sdelay $0x3  }
0x33: {  	p0 =	seq.s32 s10, $0x1;
	s10 =	sld [smem:$0x3FB9];
	_ =	sdelay $0x3  }
0x34: {  	[smem:$0x3FB9] =	sst s10  }
0x35: {  	s10 =	sld [smem:$0x3FB8];
	_ =	sdelay $0x3  }
0x36: {  	p1 =	seq.s32 s10, $0x1;
	s10 =	sld [smem:$0x3FB9];
	_ =	sdelay $0x3  }
0x37: {  	[smem:$0x3FB9] =	sst s10  }
0x38: {  	s10 =	sld [smem:$0x3FBA]  }
0x39: {  	_ = 	snop;
	(pc) =	sbr.ind lr, $3  }
0x3a: {  	_ = 	snop  }
0x3b: {  	_ = 	snop  }
0x3c: {  	p2 =	seq.s32 s10, $0x1;
	s10 =	sld [smem:$0x3FB9]  }
0x3d: {  	_ =	shalt  }
0x3e: {  	_ =	shalt  }
0x3f: {  	_ =	shalt  }
0x40: {  	_ =	shalt  }
0x41: {  	_ =	shalt  }
0x42: {  	_ =	shalt  }
0x43: {  	_ =	shalt  }
0x44: {  	_ =	shalt  }
0x45: {  	_ =	shalt  }
0x46: {  	_ =	shalt  }
0x47: {  	_ =	shalt  }
0x48: {  	_ =	shalt  }
0x49: {  	_ =	shalt  }
0x4a: {  	_ =	shalt  }
0x4b: {  	_ =	shalt  }
0x4c: {  	_ =	shalt  }
0x4d: {  	_ =	shalt  }
0x4e: {  	_ =	shalt  }
0x4f: {  	_ =	shalt  }
0x50: {  	_ =	shalt  }
0x51: {  	_ =	shalt  }
0x52: {  	_ =	shalt  }
0x53: {  	_ =	shalt  }
0x54: {  	_ =	shalt  }
0x55: {  	_ =	shalt  }
0x56: {  	_ =	shalt  }
0x57: {  	_ =	shalt  }
0x58: {  	_ =	shalt  }
0x59: {  	_ =	shalt  }
0x5a: {  	_ =	shalt  }
0x5b: {  	_ =	shalt  }
0x5c: {  	_ =	shalt  }
0x5d: {  	_ =	shalt  }
0x5e: {  	_ =	shalt  }
0x5f: {  	_ =	shalt  }
0x60: {  	_ =	shalt  }
0x61: {  	_ =	shalt  }
0x62: {  	_ =	shalt  }
0x63: {  	_ =	shalt  }
0x64: {  	_ =	shalt  }
0x65: {  	_ =	shalt  }
0x66: {  	_ =	shalt  }
0x67: {  	_ =	shalt  }
0x68: {  	_ =	shalt  }
0x69: {  	_ =	shalt  }
0x6a: {  	_ =	shalt  }
0x6b: {  	_ =	shalt  }
0x6c: {  	_ =	shalt  }
0x6d: {  	_ =	shalt  }
0x6e: {  	_ =	shalt  }
0x6f: {  	_ =	shalt  }
0x70: {  	_ =	shalt  }
0x71: {  	_ =	shalt  }
0x72: {  	_ =	shalt  }
0x73: {  	_ =	shalt  }
0x74: {  	_ =	shalt  }
0x75: {  	_ =	shalt  }
0x76: {  	_ =	shalt  }
0x77: {  	_ =	shalt  }
0x78: {  	_ =	shalt  }
0x79: {  	_ =	shalt  }
0x7a: {  	_ =	shalt  }
0x7b: {  	_ =	shalt  }
0x7c: {  	_ =	shalt  }
0x7d: {  	_ =	shalt  }
0x7e: {  	_ =	shalt  }
0x7f: {  	_ =	shalt  }
0x80: {  	_ =	shalt  }
0x81: {  	_ =	shalt  }
0x82: {  	_ =	shalt  }
0x83: {  	_ =	shalt  }
0x84: {  	_ =	shalt  }
0x85: {  	_ =	shalt  }
0x86: {  	_ =	shalt  }
0x87: {  	_ =	shalt  }
.Lfunc_end0:
.L_simem_size_0:
called_computation.3_lowered:
.L_overlay_start_0:
0x88: {  	s2 =	sld [smem:$0x3FD9]  }
0x89: {  	s3 =	sld [smem:$0x3FFE];
	_ =	sdelay $0x1  }
0x8a: {  	s1 =	srdreg.scid  }
0x8b: {  	s0 =	sand.u32 $0x1, s1  }
0x8c: {  	s17 =	sshll.u32 s0, $0xA;
	s2 =	sadd.s32 s3, s2  }
0x8d: {  	s2 =	sadd.s32 s2, s17  }
0x8e: {  	[smem:$0x3FC5] =	sst s2  }
0x8f: {  	_ = 	snop  }
0x90: {  	s2 =	sld [smem:$0x3FD0];
	(tm) =	ssettm $0x1  }
0x91: {  	s18 =	sld [smem:$0x3FFB];
	_ =	sdelay $0x3  }
0x92: {  	_ =	strace s18  }
0x93: {  	s3 =	sld [smem:$0x3FFC];
	_ =	sdelay $0x3  }
0x94: {  	_ =	strace s3  }
0x95: {  	s3 =	sld [smem:$0x3FFD];
	_ =	sdelay $0x3  }
0x96: {  	_ =	strace s3  }
0x97: {  	_ =	strace $0x8FFFFFFF  }
0x98: {  	s19 =	sld [smem:$0x3FDB];
	_ =	sdelay $0x1  }
0x99: {  	s4 =	simm.s32 $_scs_section_size  }
0x9a: {  	s5 =	simm.s32 $_size__tile_overlayer_lowered;
	s6 =	simm.s32 $_tile_overlayer_lowered  }
0x9b: {  	s22 =	simm.s32 $0x1BFF;
	s21 =	sshll.u32 s6, $0x1;
	s3 =	sadd.s32 s4, s19  }
0x9c: {  	s7 =	simm.s32 $0x0;
	s20 =	sshll.u32 s5, $0x1;
	s5 =	sadd.s32 s21, s3  }
0x9d: {  	[timem:s7], [sflag:s22] =	dma.local [hbm:s5], s20  }
0x9e: {  	_ =	swait.ge [sflag:s22], s20  }
0x9f: {  	s4 =	ssub.s32 $0x0, s20;
	[sflag:s22] =	ssyncset.done $0x0  }
0xa0: {  	[sflag:s22] =	ssyncadd.s32 s4;
	_ =	sdelay $0x1  }
0xa1: {  	s23 =	simm.s32 $0x1B8B  }
0xa2: {  	_ =	swait.ge [sflag:s23], $0x1  }
0xa3: {  	[sflag:s23] =	ssyncset.done $0x0  }
0xa4: {  	s25 =	simm.s32 $0x1B8E;
	s24 =	sld [smem:$0x3FFE];
	[sflag:s23] =	ssyncadd.s32 $0xFFFFFFFF  }
0xa5: {  	s26 =	simm.s32 $execute0_lowered;
	[smem:$0x3FD2] =	sst s25  }
0xa6: {  	s5 =	sshll.u32 s26, $0x1;
	_ =	strace $0x8000004C;
	[dreg:$0x1] =	wrdreg $0xFFFFFFFF  }
0xa7: {  	s28 =	simm.s32 $_size_execute0_lowered;
	s3 =	sadd.s32 s3, s5;
	[dreg:$0x0] =	wrdreg $0x0  }
0xa8: {  	s5 =	sshll.u32 s28, $0x1;
	[dreg:$0x2] =	wrdreg s3  }
0xa9: {  	[dreg:$0x3] =	wrdreg s5  }
0xaa: {  	[dreg:$0x4] =	wrdreg $0xC0  }
0xab: {  	_ =	task [dreg:s7], $0x5FFFF  }
0xac: {  	[dreg:$0x1] =	wrdreg $0xFFFFFFFF  }
0xad: {  	[dreg:$0x0] =	wrdreg $0x60  }
0xae: {  	[dreg:$0x2] =	wrdreg s2  }
0xaf: {  	[dreg:$0x3] =	wrdreg s24  }
0xb0: {  	[dreg:$0x4] =	wrdreg $0x9  }
0xb1: {  	_ =	task.clear_ibuf [dreg:s7], $0x5FFFF;
	_ =	strace $0x9000004C  }
0xb2: {  	s29 =	simm.s32 $0x9;
	_ =	strace $0x8000004E  }
0xb3: {  	_ =	swait.ge [sflag:s29], $0x1  }
0xb4: {  	[sflag:s29] =	ssyncadd.s32 $0xFFFFFFFF  }
0xb5: {  	_ =	strace $0x9000004E  }
0xb6: {  	_ =	sfence  }
0xb7: {  	s30 =	sld [smem:$0x0];
	_ =	sdelay $0x2  }
0xb8: {  	s31 =	sshll.u32 s1, $0xD;
	s1 =	sshrl.u32 s1, $0x2  }
0xb9: {  	s3 =	sand.u32 $0x4000, s31;
	s1 =	sadd.s32 s1, s30  }
0xba: {  	s0 =	sor.u32 s3, s0;
	s1 =	sshll.u32 s1, $0x11  }
0xbb: {  	s0 =	sor.u32 s1, s0  }
0xbc: {  	s0 =	sadd.s32 $0x8F2B, s0  }
0xbd: {  	[sflag:s0] =	ssyncadd.remote.s32 $0x1  }
0xbe: {  	_ =	sfence.sel $0xFFFF  }
0xbf: {  	[dreg:$0x0] =	wrdreg $0xFFFFFFFF;
	(pc) =	sbr.abs _section_cstart, $3  }
0xc0: {  	[dreg:$0x1] =	wrdreg $0xFFFFFFFF  }
0xc1: {  	_ =	task.clear_ibuf [dreg:s7], $0x2FFFF;
	_ =	strace $0x9FFFFFFF  }
0xc2: {  	(tm) =	ssettm $0x7FFFFFFF  }
0xc3: {  	_ =	shalt  }
tec
execute0_lowered:
.L_overlay_start_1:
0x0: {  	(tag) =	ssettag $0x1  }
0x1: {  	s1 =	srdreg.scid;
	s0 =	stileid.u32  }
0x2: {  	s25 =	sand.u32 $0x1, s1;
	s31 =	sshll.u32 s0, $0x1  }
0x3: {  	s2 =	rddreg [dreg:$0x0];
	s10 =	sor.u32 s25, s31  }
0x4: {  	s9 =	rddreg [dreg:$0x1];
	s4 =	smul.u32 $0x50, s10  }
0x5: {  	s3 =	simm.s32 $0x0;
	s1 =	rddreg [dreg:$0x2]  }
0x6: {  	[smem:$0x7FF] =	sst s3;
	s4 =	sadd.s32 s4, s9  }
0x7: {  	_ =	strace $0x8000004D;
	s5 =	sadd.s32 $0x2A2A00, s4;
	s4 =	simm.s32 $0x2  }
0x8: {  	[tilespmem:s3], [sflag:$0x2] =	stream.linear.gather [hbm4b:s5+s3], $0x280, $0x38;
	[tilespmem:$0xC680] =	vst v63  }
0x9: {  	_ =	swait.ge [sflag:s4], $0x280  }
0xa: {  	s6 =	simm.s32 $0x40;
	[sflag:s4] =	ssyncset.done $0x0  }
0xb: {  	s7 =	simm.s32 $0x280;
	s8 =	simm.s32 $0x1;
	[sflag:s4] =	ssyncadd.s32 $0xFFFFFD80  }
0xc: {  	[tilespmem:s7], [sflag:$0x1] =	stream.indirect.gather [hbm4b:s2+s6], $0x310, s3, s6, $0xb8;
	[tilespmem:$0xC680] =	vst v63  }
0xd: {  	s11 =	smul.u32 $0xEBD0, s10;
	_ =	swait.ge [sflag:s8], $0xC400  }
0xe: {  	s12 =	sadd.s32 $0x2A3400, s9;
	[sflag:s8] =	ssyncset.done $0x0  }
0xf: {  	s9 =	sadd.s32 s12, s11;
	[sflag:s8] =	ssyncadd.s32 $0xFFFF3C00  }
0x10: {  	[hbm4b:s9+s3] =	stream.linear.scatter [tilespmem:s7], [sflag:$0x2], $0xC400, $0x38;
	[tilespmem:$0xC680] =	vst v63  }
0x11: {  	_ =	swait.ge [sflag:s4], $0xC400  }
0x12: {  	[sflag:s4] =	ssyncset.done $0x0  }
0x13: {  	s10 =	smul.u32 $0x75E80, s10;
	[sflag:s4] =	ssyncadd.s32 $0xFFFF3C00  }
0x14: {  	[tilespmem:s7], [sflag:$0x1] =	stream.indirect.gather [hbm4b:s2+s6], $0x310, s6, s6, $0xb8;
	[tilespmem:$0xC680] =	vst v63  }
0x15: {  	s10 =	sshrl.u32 s10, $0x3;
	_ =	swait.ge [sflag:s8], $0xC400  }
0x16: {  	s28 =	sadd.s32 s12, s10;
	[sflag:s8] =	ssyncset.done $0x0  }
0x17: {  	s10 =	sadd.s32 $0x1880, s28;
	[sflag:s8] =	ssyncadd.s32 $0xFFFF3C00  }
0x18: {  	[hbm4b:s10+s3] =	stream.linear.scatter [tilespmem:s7], [sflag:$0x2], $0xC400, $0x38;
	[tilespmem:$0xC680] =	vst v63  }
0x19: {  	_ =	swait.ge [sflag:s4], $0xC400  }
0x1a: {  	[sflag:s4] =	ssyncset.done $0x0  }
0x1b: {  	s11 =	simm.s32 $0x80;
	[sflag:s4] =	ssyncadd.s32 $0xFFFF3C00  }
0x1c: {  	[tilespmem:s7], [sflag:$0x1] =	stream.indirect.gather [hbm4b:s2+s6], $0x310, s11, s6, $0xb8;
	[tilespmem:$0xC680] =	vst v63  }
0x1d: {  	_ =	swait.ge [sflag:s8], $0xC400  }
0x1e: {  	[sflag:s8] =	ssyncset.done $0x0  }
0x1f: {  	s12 =	sadd.s32 $0x3100, s28;
	[sflag:s8] =	ssyncadd.s32 $0xFFFF3C00  }
0x20: {  	[hbm4b:s12+s3] =	stream.linear.scatter [tilespmem:s7], [sflag:$0x2], $0xC400, $0x38;
	[tilespmem:$0xC680] =	vst v63  }
0x21: {  	_ =	swait.ge [sflag:s4], $0xC400  }
0x22: {  	[sflag:s4] =	ssyncset.done $0x0  }
0x23: {  	s13 =	simm.s32 $0xC0;
	[sflag:s4] =	ssyncadd.s32 $0xFFFF3C00  }
0x24: {  	[tilespmem:s7], [sflag:$0x1] =	stream.indirect.gather [hbm4b:s2+s6], $0x310, s13, s6, $0xb8;
	[tilespmem:$0xC680] =	vst v63  }
0x25: {  	_ =	swait.ge [sflag:s8], $0xC400  }
0x26: {  	[sflag:s8] =	ssyncset.done $0x0  }
0x27: {  	s14 =	sadd.s32 $0x4980, s28;
	[sflag:s8] =	ssyncadd.s32 $0xFFFF3C00  }
0x28: {  	[hbm4b:s14+s3] =	stream.linear.scatter [tilespmem:s7], [sflag:$0x2], $0xC400, $0x38;
	[tilespmem:$0xC680] =	vst v63  }
0x29: {  	_ =	swait.ge [sflag:s4], $0xC400  }
0x2a: {  	[sflag:s4] =	ssyncset.done $0x0  }
0x2b: {  	s15 =	simm.s32 $0x100;
	[sflag:s4] =	ssyncadd.s32 $0xFFFF3C00  }
0x2c: {  	[tilespmem:s7], [sflag:$0x1] =	stream.indirect.gather [hbm4b:s2+s6], $0x310, s15, s6, $0xb8;
	[tilespmem:$0xC680] =	vst v63  }
0x2d: {  	_ =	swait.ge [sflag:s8], $0xC400  }
0x2e: {  	[sflag:s8] =	ssyncset.done $0x0  }
0x2f: {  	s16 =	sadd.s32 $0x6200, s28;
	[sflag:s8] =	ssyncadd.s32 $0xFFFF3C00  }
0x30: {  	[hbm4b:s16+s3] =	stream.linear.scatter [tilespmem:s7], [sflag:$0x2], $0xC400, $0x38;
	[tilespmem:$0xC680] =	vst v63  }
0x31: {  	_ =	swait.ge [sflag:s4], $0xC400  }
0x32: {  	[sflag:s4] =	ssyncset.done $0x0  }
0x33: {  	s17 =	simm.s32 $0x140;
	[sflag:s4] =	ssyncadd.s32 $0xFFFF3C00  }
0x34: {  	[tilespmem:s7], [sflag:$0x1] =	stream.indirect.gather [hbm4b:s2+s6], $0x310, s17, s6, $0xb8;
	[tilespmem:$0xC680] =	vst v63  }
0x35: {  	_ =	swait.ge [sflag:s8], $0xC400  }
0x36: {  	[sflag:s8] =	ssyncset.done $0x0  }
0x37: {  	s18 =	sadd.s32 $0x7A80, s28;
	[sflag:s8] =	ssyncadd.s32 $0xFFFF3C00  }
0x38: {  	[hbm4b:s18+s3] =	stream.linear.scatter [tilespmem:s7], [sflag:$0x2], $0xC400, $0x38;
	[tilespmem:$0xC680] =	vst v63  }
0x39: {  	_ =	swait.ge [sflag:s4], $0xC400  }
0x3a: {  	[sflag:s4] =	ssyncset.done $0x0  }
0x3b: {  	s19 =	simm.s32 $0x180;
	[sflag:s4] =	ssyncadd.s32 $0xFFFF3C00  }
0x3c: {  	[tilespmem:s7], [sflag:$0x1] =	stream.indirect.gather [hbm4b:s2+s6], $0x310, s19, s6, $0xb8;
	[tilespmem:$0xC680] =	vst v63  }
0x3d: {  	_ =	swait.ge [sflag:s8], $0xC400  }
0x3e: {  	[sflag:s8] =	ssyncset.done $0x0  }
0x3f: {  	s20 =	sadd.s32 $0x9300, s28;
	[sflag:s8] =	ssyncadd.s32 $0xFFFF3C00  }
0x40: {  	[hbm4b:s20+s3] =	stream.linear.scatter [tilespmem:s7], [sflag:$0x2], $0xC400, $0x38;
	[tilespmem:$0xC680] =	vst v63  }
0x41: {  	_ =	swait.ge [sflag:s4], $0xC400  }
0x42: {  	[sflag:s4] =	ssyncset.done $0x0  }
0x43: {  	s21 =	simm.s32 $0x1C0;
	[sflag:s4] =	ssyncadd.s32 $0xFFFF3C00  }
0x44: {  	[tilespmem:s7], [sflag:$0x1] =	stream.indirect.gather [hbm4b:s2+s6], $0x310, s21, s6, $0xb8;
	[tilespmem:$0xC680] =	vst v63  }
0x45: {  	_ =	swait.ge [sflag:s8], $0xC400  }
0x46: {  	[sflag:s8] =	ssyncset.done $0x0  }
0x47: {  	s22 =	sadd.s32 $0xAB80, s28;
	[sflag:s8] =	ssyncadd.s32 $0xFFFF3C00  }
0x48: {  	[hbm4b:s22+s3] =	stream.linear.scatter [tilespmem:s7], [sflag:$0x2], $0xC400, $0x38;
	[tilespmem:$0xC680] =	vst v63  }
0x49: {  	_ =	swait.ge [sflag:s4], $0xC400  }
0x4a: {  	[sflag:s4] =	ssyncset.done $0x0  }
0x4b: {  	s23 =	simm.s32 $0x200;
	[sflag:s4] =	ssyncadd.s32 $0xFFFF3C00  }
0x4c: {  	[tilespmem:s7], [sflag:$0x1] =	stream.indirect.gather [hbm4b:s2+s6], $0x310, s23, s6, $0xb8;
	[tilespmem:$0xC680] =	vst v63  }
0x4d: {  	_ =	swait.ge [sflag:s8], $0xC400  }
0x4e: {  	[sflag:s8] =	ssyncset.done $0x0  }
0x4f: {  	s29 =	ssub.s32 $0x2, s25;
	s24 =	sadd.s32 $0xC400, s28;
	[sflag:s8] =	ssyncadd.s32 $0xFFFF3C00  }
0x50: {  	[hbm4b:s24+s3] =	stream.linear.scatter [tilespmem:s7], [sflag:$0x2], $0xC400, $0x38;
	[tilespmem:$0xC680] =	vst v63  }
0x51: {  	s30 =	sshrl.u32 s29, $0x1;
	_ =	swait.ge [sflag:s4], $0xC400  }
0x52: {  	s26 =	simm.s32 $0x240;
	s29 =	ssub.s32 s29, s30;
	[sflag:s4] =	ssyncset.done $0x0  }
0x53: {  	s25 =	simm.s32 $0x28;
	s29 =	smax.u32 s29, $0x1;
	[sflag:s4] =	ssyncadd.s32 $0xFFFF3C00  }
0x54: {  	[tilespmem:s7], [sflag:$0x1] =	stream.indirect.gather [hbm4b:s2+s25], $0x310, s26, s25, $0xb8;
	[tilespmem:$0xC680] =	vst v63  }
0x55: {  	p0 =	sne.s32 s29, $0x1;
	_ =	swait.ge [sflag:s8], $0x7A80  }
.Ltmp0:
0x56: {  	[sflag:s8] =	ssyncset.done $0x0;
	(pc) =	sbr.rel @!p0 .LBB2_2-.Ltmp0, $4  }
0x57: {  	s28 =	sadd.s32 $0xDC80, s28;
	[sflag:s8] =	ssyncadd.s32 $0xFFFF8580  }
0x58: {  	[hbm4b:s28+s3] =	stream.linear.scatter [tilespmem:s7], [sflag:$0x2], $0x7A80, $0x38;
	[tilespmem:$0xC680] =	vst v63  }
0x59: {  	_ =	swait.ge [sflag:s4], $0x7A80  }
0x5a: {  	s29 =	sadd.s32 $0xFFFFFFFF, s29;
	[sflag:s4] =	ssyncset.done $0x0  }
.LBB2_1:
0x5b: {  	p0 =	sne.s32 s29, $0x1;
	s29 =	sadd.s32 $0xFFFFFFFF, s29;
	[sflag:s4] =	ssyncadd.s32 $0xFFFF8580  }
0x5c: {  	[tilespmem:s3], [sflag:$0x2] =	stream.linear.gather [hbm4b:s5+s3], $0x280, $0x38;
	[tilespmem:$0xC680] =	vst v63  }
0x5d: {  	_ =	swait.ge [sflag:s4], $0x280  }
0x5e: {  	[sflag:s4] =	ssyncset.done $0x0  }
0x5f: {  	[sflag:s4] =	ssyncadd.s32 $0xFFFFFD80  }
0x60: {  	[tilespmem:s7], [sflag:$0x1] =	stream.indirect.gather [hbm4b:s2+s6], $0x310, s3, s6, $0xb8;
	[tilespmem:$0xC680] =	vst v63  }
0x61: {  	_ =	swait.ge [sflag:s8], $0xC400  }
0x62: {  	[sflag:s8] =	ssyncset.done $0x0  }
0x63: {  	[sflag:s8] =	ssyncadd.s32 $0xFFFF3C00  }
0x64: {  	[hbm4b:s9+s3] =	stream.linear.scatter [tilespmem:s7], [sflag:$0x2], $0xC400, $0x38;
	[tilespmem:$0xC680] =	vst v63  }
0x65: {  	_ =	swait.ge [sflag:s4], $0xC400  }
0x66: {  	[sflag:s4] =	ssyncset.done $0x0  }
0x67: {  	[sflag:s4] =	ssyncadd.s32 $0xFFFF3C00  }
0x68: {  	[tilespmem:s7], [sflag:$0x1] =	stream.indirect.gather [hbm4b:s2+s6], $0x310, s6, s6, $0xb8;
	[tilespmem:$0xC680] =	vst v63  }
0x69: {  	_ =	swait.ge [sflag:s8], $0xC400  }
0x6a: {  	[sflag:s8] =	ssyncset.done $0x0  }
0x6b: {  	[sflag:s8] =	ssyncadd.s32 $0xFFFF3C00  }
0x6c: {  	[hbm4b:s10+s3] =	stream.linear.scatter [tilespmem:s7], [sflag:$0x2], $0xC400, $0x38;
	[tilespmem:$0xC680] =	vst v63  }
0x6d: {  	_ =	swait.ge [sflag:s4], $0xC400  }
0x6e: {  	[sflag:s4] =	ssyncset.done $0x0  }
0x6f: {  	[sflag:s4] =	ssyncadd.s32 $0xFFFF3C00  }
0x70: {  	[tilespmem:s7], [sflag:$0x1] =	stream.indirect.gather [hbm4b:s2+s6], $0x310, s11, s6, $0xb8;
	[tilespmem:$0xC680] =	vst v63  }
0x71: {  	_ =	swait.ge [sflag:s8], $0xC400  }
0x72: {  	[sflag:s8] =	ssyncset.done $0x0  }
0x73: {  	[sflag:s8] =	ssyncadd.s32 $0xFFFF3C00  }
0x74: {  	[hbm4b:s12+s3] =	stream.linear.scatter [tilespmem:s7], [sflag:$0x2], $0xC400, $0x38;
	[tilespmem:$0xC680] =	vst v63  }
0x75: {  	_ =	swait.ge [sflag:s4], $0xC400  }
0x76: {  	[sflag:s4] =	ssyncset.done $0x0  }
0x77: {  	[sflag:s4] =	ssyncadd.s32 $0xFFFF3C00  }
0x78: {  	[tilespmem:s7], [sflag:$0x1] =	stream.indirect.gather [hbm4b:s2+s6], $0x310, s13, s6, $0xb8;
	[tilespmem:$0xC680] =	vst v63  }
0x79: {  	_ =	swait.ge [sflag:s8], $0xC400  }
0x7a: {  	[sflag:s8] =	ssyncset.done $0x0  }
0x7b: {  	[sflag:s8] =	ssyncadd.s32 $0xFFFF3C00  }
0x7c: {  	[hbm4b:s14+s3] =	stream.linear.scatter [tilespmem:s7], [sflag:$0x2], $0xC400, $0x38;
	[tilespmem:$0xC680] =	vst v63  }
0x7d: {  	_ =	swait.ge [sflag:s4], $0xC400  }
0x7e: {  	[sflag:s4] =	ssyncset.done $0x0  }
0x7f: {  	[sflag:s4] =	ssyncadd.s32 $0xFFFF3C00  }
0x80: {  	[tilespmem:s7], [sflag:$0x1] =	stream.indirect.gather [hbm4b:s2+s6], $0x310, s15, s6, $0xb8;
	[tilespmem:$0xC680] =	vst v63  }
0x81: {  	_ =	swait.ge [sflag:s8], $0xC400  }
0x82: {  	[sflag:s8] =	ssyncset.done $0x0  }
0x83: {  	[sflag:s8] =	ssyncadd.s32 $0xFFFF3C00  }
0x84: {  	[hbm4b:s16+s3] =	stream.linear.scatter [tilespmem:s7], [sflag:$0x2], $0xC400, $0x38;
	[tilespmem:$0xC680] =	vst v63  }
0x85: {  	_ =	swait.ge [sflag:s4], $0xC400  }
0x86: {  	[sflag:s4] =	ssyncset.done $0x0  }
0x87: {  	[sflag:s4] =	ssyncadd.s32 $0xFFFF3C00  }
0x88: {  	[tilespmem:s7], [sflag:$0x1] =	stream.indirect.gather [hbm4b:s2+s6], $0x310, s17, s6, $0xb8;
	[tilespmem:$0xC680] =	vst v63  }
0x89: {  	_ =	swait.ge [sflag:s8], $0xC400  }
0x8a: {  	[sflag:s8] =	ssyncset.done $0x0  }
0x8b: {  	[sflag:s8] =	ssyncadd.s32 $0xFFFF3C00  }
0x8c: {  	[hbm4b:s18+s3] =	stream.linear.scatter [tilespmem:s7], [sflag:$0x2], $0xC400, $0x38;
	[tilespmem:$0xC680] =	vst v63  }
0x8d: {  	_ =	swait.ge [sflag:s4], $0xC400  }
0x8e: {  	[sflag:s4] =	ssyncset.done $0x0  }
0x8f: {  	[sflag:s4] =	ssyncadd.s32 $0xFFFF3C00  }
0x90: {  	[tilespmem:s7], [sflag:$0x1] =	stream.indirect.gather [hbm4b:s2+s6], $0x310, s19, s6, $0xb8;
	[tilespmem:$0xC680] =	vst v63  }
0x91: {  	_ =	swait.ge [sflag:s8], $0xC400  }
0x92: {  	[sflag:s8] =	ssyncset.done $0x0  }
0x93: {  	[sflag:s8] =	ssyncadd.s32 $0xFFFF3C00  }
0x94: {  	[hbm4b:s20+s3] =	stream.linear.scatter [tilespmem:s7], [sflag:$0x2], $0xC400, $0x38;
	[tilespmem:$0xC680] =	vst v63  }
0x95: {  	_ =	swait.ge [sflag:s4], $0xC400  }
0x96: {  	[sflag:s4] =	ssyncset.done $0x0  }
0x97: {  	[sflag:s4] =	ssyncadd.s32 $0xFFFF3C00  }
0x98: {  	[tilespmem:s7], [sflag:$0x1] =	stream.indirect.gather [hbm4b:s2+s6], $0x310, s21, s6, $0xb8;
	[tilespmem:$0xC680] =	vst v63  }
0x99: {  	_ =	swait.ge [sflag:s8], $0xC400  }
0x9a: {  	[sflag:s8] =	ssyncset.done $0x0  }
0x9b: {  	[sflag:s8] =	ssyncadd.s32 $0xFFFF3C00  }
0x9c: {  	[hbm4b:s22+s3] =	stream.linear.scatter [tilespmem:s7], [sflag:$0x2], $0xC400, $0x38;
	[tilespmem:$0xC680] =	vst v63  }
0x9d: {  	_ =	swait.ge [sflag:s4], $0xC400  }
0x9e: {  	[sflag:s4] =	ssyncset.done $0x0  }
0x9f: {  	[sflag:s4] =	ssyncadd.s32 $0xFFFF3C00  }
0xa0: {  	[tilespmem:s7], [sflag:$0x1] =	stream.indirect.gather [hbm4b:s2+s6], $0x310, s23, s6, $0xb8;
	[tilespmem:$0xC680] =	vst v63  }
0xa1: {  	_ =	swait.ge [sflag:s8], $0xC400  }
0xa2: {  	[sflag:s8] =	ssyncset.done $0x0  }
0xa3: {  	[sflag:s8] =	ssyncadd.s32 $0xFFFF3C00  }
0xa4: {  	[hbm4b:s24+s3] =	stream.linear.scatter [tilespmem:s7], [sflag:$0x2], $0xC400, $0x38;
	[tilespmem:$0xC680] =	vst v63  }
0xa5: {  	_ =	swait.ge [sflag:s4], $0xC400  }
0xa6: {  	[sflag:s4] =	ssyncset.done $0x0  }
0xa7: {  	[sflag:s4] =	ssyncadd.s32 $0xFFFF3C00  }
0xa8: {  	[tilespmem:s7], [sflag:$0x1] =	stream.indirect.gather [hbm4b:s2+s25], $0x310, s26, s25, $0xb8;
	[tilespmem:$0xC680] =	vst v63  }
0xa9: {  	_ =	swait.ge [sflag:s8], $0x7A80  }
.Ltmp1:
0xaa: {  	[sflag:s8] =	ssyncset.done $0x0;
	(pc) =	sbr.rel @p0 .LBB2_1-.Ltmp1, $4  }
0xab: {  	[sflag:s8] =	ssyncadd.s32 $0xFFFF8580  }
0xac: {  	[hbm4b:s28+s3] =	stream.linear.scatter [tilespmem:s7], [sflag:$0x2], $0x7A80, $0x38;
	[tilespmem:$0xC680] =	vst v63  }
0xad: {  	_ =	swait.ge [sflag:s4], $0x7A80  }
0xae: {  	[sflag:s4] =	ssyncset.done $0x0  }
.LBB2_2:
0xaf: {  	[sflag:s4] =	ssyncadd.s32 $0xFFFF8580  }
0xb0: {  	_ =	sfence.sel $0x180000  }
0xb1: {  	[bflag:$0x0] =	sbarrier.arrive $0xFFFF  }
0xb2: {  	p0 =	sne.s32 s0, $0x0;
	_ =	strace $0x9000004D  }
0xb3: {  	s0 =	sadd.s32 @!p0 $0x100000, s1;
	[bflag:$0x2] =	sbarrier.arrive $0xFFFF  }
0xb4: {  	[sflag:s0] =	ssyncadd.tile.s32 @!p0 $0x1;
	_ =	shalt  }
.Lfunc_end2:
_tile_overlayer_lowered:
.L_overlay_start_2:
0xb5: {  	(tag) =	ssettag $0x2  }
0xb6: {  	s0 =	rddreg [dreg:$0x0];
	s2 =	stileid.u32  }
0xb7: {  	s1 =	rddreg [dreg:$0x1];
	p0 =	sne.s32 s2, $0x0  }
0xb8: {  	s3 =	rddreg [dreg:$0x2];
	[bflag:$0x3] =	sbarrier.arrive $0xFFFF;
	s2 =	simm.s32 @!p0 $0x1C02  }
0xb9: {  	[timem:s3], [sflag:s2] =	dma.local @!p0 [hbm:s0], s1  }
0xba: {  	s0 =	simm.s32 @!p0 $0x2  }
0xbb: {  	_ =	swait.ge @!p0 [sflag:s0], s1  }
0xbc: {  	s1 =	ssub.s32 @!p0 $0x0, s1;
	[sflag:s0] =	ssyncset.done @!p0 $0x0  }
0xbd: {  	[sflag:s0] =	ssyncadd.s32 @!p0 s1  }
0xbe: {  	[bflag:$0x3] =	sbarrier.arrive $0xFFFF  }
0xbf: {  	_ =	shalt  }

// kernel: sparse-core-data-format-call.1.cloned.1.call-start
scs
called_computation.1_lowered:
.L_overlay_start_0:
0x0: {  	s2 =	sld [smem:$0x3FD9]  }
0x1: {  	s3 =	sld [smem:$0x3FFE];
	_ =	sdelay $0x1  }
0x2: {  	s1 =	srdreg.scid  }
0x3: {  	s0 =	sand.u32 $0x1, s1  }
0x4: {  	s18 =	sshll.u32 s0, $0xA;
	s2 =	sadd.s32 s3, s2  }
0x5: {  	s2 =	sadd.s32 s2, s18  }
0x6: {  	[smem:$0x3FC5] =	sst s2  }
0x7: {  	_ = 	snop  }
0x8: {  	s2 =	sld [smem:$0x3FD0];
	(tm) =	ssettm $0x1  }
0x9: {  	s19 =	sld [smem:$0x3FFB];
	_ =	sdelay $0x3  }
0xa: {  	_ =	strace s19  }
0xb: {  	s3 =	sld [smem:$0x3FFC];
	_ =	sdelay $0x3  }
0xc: {  	_ =	strace s3  }
0xd: {  	s3 =	sld [smem:$0x3FFD];
	_ =	sdelay $0x3  }
0xe: {  	_ =	strace s3  }
0xf: {  	_ =	strace $0x8FFFFFFF  }
0x10: {  	s20 =	sld [smem:$0x3FDB];
	_ =	sdelay $0x1  }
0x11: {  	s4 =	simm.s32 $_scs_section_size  }
0x12: {  	s5 =	simm.s32 $_size__tile_overlayer_lowered;
	s6 =	simm.s32 $_tile_overlayer_lowered  }
0x13: {  	s23 =	simm.s32 $0x1BFF;
	s22 =	sshll.u32 s6, $0x1;
	s3 =	sadd.s32 s4, s20  }
0x14: {  	s7 =	simm.s32 $0x0;
	s21 =	sshll.u32 s5, $0x1;
	s5 =	sadd.s32 s22, s3  }
0x15: {  	[timem:s7], [sflag:s23] =	dma.local [hbm:s5], s21  }
0x16: {  	_ =	swait.ge [sflag:s23], s21  }
0x17: {  	s4 =	ssub.s32 $0x0, s21;
	[sflag:s23] =	ssyncset.done $0x0  }
0x18: {  	[sflag:s23] =	ssyncadd.s32 s4;
	_ =	sdelay $0x1  }
0x19: {  	s24 =	simm.s32 $0x1B8B  }
0x1a: {  	_ =	swait.ge [sflag:s24], $0x1  }
0x1b: {  	[sflag:s24] =	ssyncset.done $0x0  }
0x1c: {  	s26 =	simm.s32 $0x1B8E;
	s25 =	sld [smem:$0x3FFE];
	[sflag:s24] =	ssyncadd.s32 $0xFFFFFFFF  }
0x1d: {  	s27 =	simm.s32 $execute0_lowered;
	[smem:$0x3FD2] =	sst s26  }
0x1e: {  	s5 =	sshll.u32 s27, $0x1;
	_ =	strace $0x80000049;
	[dreg:$0x1] =	wrdreg $0xFFFFFFFF  }
0x1f: {  	s28 =	simm.s32 $_size_execute0_lowered;
	s3 =	sadd.s32 s3, s5;
	[dreg:$0x0] =	wrdreg $0x0  }
0x20: {  	s5 =	sshll.u32 s28, $0x1;
	[dreg:$0x2] =	wrdreg s3  }
0x21: {  	[dreg:$0x3] =	wrdreg s5  }
0x22: {  	[dreg:$0x4] =	wrdreg $0xC0  }
0x23: {  	_ =	task [dreg:s7], $0x5FFFF  }
0x24: {  	[dreg:$0x1] =	wrdreg $0xFFFFFFFF  }
0x25: {  	[dreg:$0x0] =	wrdreg $0x60  }
0x26: {  	[dreg:$0x2] =	wrdreg s2  }
0x27: {  	[dreg:$0x3] =	wrdreg s25  }
0x28: {  	[dreg:$0x4] =	wrdreg $0x9  }
0x29: {  	_ =	task.clear_ibuf [dreg:s7], $0x5FFFF;
	_ =	strace $0x90000049  }
0x2a: {  	s29 =	simm.s32 $0x9;
	_ =	strace $0x8000004B  }
0x2b: {  	_ =	swait.ge [sflag:s29], $0x1  }
0x2c: {  	[sflag:s29] =	ssyncadd.s32 $0xFFFFFFFF  }
0x2d: {  	_ =	strace $0x9000004B  }
0x2e: {  	_ =	sfence  }
0x2f: {  	s30 =	sld [smem:$0x0];
	_ =	sdelay $0x2  }
0x30: {  	s31 =	sshll.u32 s1, $0xD;
	s1 =	sshrl.u32 s1, $0x2  }
0x31: {  	s3 =	sand.u32 $0x4000, s31;
	s1 =	sadd.s32 s1, s30  }
0x32: {  	s0 =	sor.u32 s3, s0;
	s1 =	sshll.u32 s1, $0x11  }
0x33: {  	s0 =	sor.u32 s1, s0  }
0x34: {  	s0 =	sadd.s32 $0x8F2B, s0  }
0x35: {  	[sflag:s0] =	ssyncadd.remote.s32 $0x1  }
0x36: {  	_ =	sfence.sel $0xFFFF  }
0x37: {  	[dreg:$0x0] =	wrdreg $0xFFFFFFFF;
	(pc) =	sbr.abs _section_cstart, $3  }
0x38: {  	[dreg:$0x1] =	wrdreg $0xFFFFFFFF  }
0x39: {  	_ =	task.clear_ibuf [dreg:s7], $0x2FFFF;
	_ =	strace $0x9FFFFFFF  }
0x3a: {  	(tm) =	ssettm $0x7FFFFFFF  }
0x3b: {  	_ =	shalt  }
tec
execute0_lowered:
.L_overlay_start_1:
0x0: {  	(tag) =	ssettag $0x1  }
0x1: {  	s0 =	srdreg.scid  }
0x2: {  	s1 =	sshll.u32 s0, $0x4  }
0x3: {  	s0 =	stileid.u32;
	s1 =	sand.u32 $0x10, s1  }
0x4: {  	s3 =	rddreg [dreg:$0x0];
	s1 =	sor.u32 s0, s1  }
0x5: {  	s6 =	rddreg [dreg:$0x1];
	s2 =	sshll.u32 s1, $0x7  }
0x6: {  	s7 =	simm.s32 $0x2;
	s13 =	simm.s32 $0x0;
	s1 =	ssub.s32 $0x6000, s2  }
0x7: {  	s8 =	simm.s32 $0x1C00;
	s12 =	simm.s32 $0x0;
	s4 =	sand.u32 $0xF80, s1  }
0x8: {  	s10 =	simm.s32 $0x0;
	p0 =	sne.s32 s4, $0x0;
	s4 =	simm.s32 $0x1  }
.Ltmp0:
0x9: {  	s5 =	sshrl.u32 s1, $0xC;
	s4 =	simm.s32 @!p0 $0x0;
	(pc) =	sbr.rel .LBB1_1-.Ltmp0, $4  }
0xa: {  	s11 =	simm.s32 $0x0;
	s1 =	rddreg [dreg:$0x2];
	s5 =	sadd.s32 s4, s5  }
0xb: {  	_ =	strace $0x8000004A;
	s4 =	simm.s32 $0x1;
	s5 =	smul.u32 $0x7, s5  }
0xc: {  	s6 =	sadd.s32 $0x2A00, s6;
	s9 =	smov.u32 s2;
	[sflag:s4] =	ssyncpa.u1 $0x0  }
0xd: {  	p0 =	por $0x0, $0x0;
	[sflag:s7] =	ssyncpa.u1 $0x0;
	s7 =	sadd.s32 $0x1, s5  }
.LBB1_4:
0xe: {  	s19 =	sshrl.u32 s13, $0x3  }
0xf: {  	s20 =	sshll.u32 s12, $0x3;
	s19 =	smul.u32 $0x1C00, s19  }
0x10: {  	s26 =	sshll.u32 s13, $0x7;
	s20 =	sand.u32 $0xFFFFFC00, s20  }
0x11: {  	s13 =	sand.u32 $0x380, s26;
	s19 =	sadd.s32 s20, s19  }
0x12: {  	s13 =	sor.u32 s13, s19  }
0x13: {  	v5 =	vld [tilespmem:s17+$0xFFFFFFD0];
	[tilespmem:s16+$0x2040 ss:$0x81] =	vst.msk $0xffff, v3;
	s19 =	sshrl.u32 s13, $0x7  }
0x14: {  	v58 =	vld [tilespmem:s17+$0xFFFFFFE0];
	[tilespmem:s16+$0x2850 ss:$0x81] =	vst.msk $0xffff, v4;
	s19 =	smulhi.u32 $0x24924925, s19  }
0x15: {  	s18 =	sshra.s32 s18, $0x2;
	v59 =	vld [tilespmem:s17+$0xFFFFFFF0];
	[tilespmem:s16+$0x3060 ss:$0x81] =	vst.msk $0xffff, v2  }
0x16: {  	v60 =	vld [tilespmem:s17+$0x0];
	[tilespmem:s16+$0x0 ss:$0x81] =	vst.msk $0xffff, v0;
	s15 =	sadd.s32 s18, s15;
	s27 =	smulhi.u32 $0x2AAAAB, s19  }
0x17: {  	v61 =	vld [tilespmem:s17+$0x10];
	[tilespmem:s15+$0x3870 ss:$0x81] =	vst.msk $0xffff, v1  }
0x18: {  	v62 =	vld [tilespmem:s17+$0x20];
	[tilespmem:s15+$0x810 ss:$0x81] =	vst.msk $0xffff, v5;
	s28 =	smul.u32 $0x380, s19;
	s16 =	sshrl.u32 s27, $0x4  }
0x19: {  	v63 =	vld [tilespmem:s17+$0xFFFFFFC0];
	s29 =	sand.u32 $0x7F, s12;
	[tilespmem:s15+$0x1020 ss:$0x81] =	vst.msk $0xffff, v58;
	s16 =	smul.u32 $0x6000, s16  }
0x1a: {  	[tilespmem:s15+$0x1830 ss:$0x81] =	vst.msk $0xffff, v59;
	s12 =	sor.u32 s29, s13  }
0x1b: {  	[tilespmem:s15+$0x2040 ss:$0x81] =	vst.msk $0xffff, v60;
	s12 =	ssub.s32 s12, s28;
	s30 =	ssub.s32 s19, s16  }
0x1c: {  	[tilespmem:s15+$0x2850 ss:$0x81] =	vst.msk $0xffff, v61;
	s31 =	sshrl.u32 s12, $0x3;
	s12 =	sand.u32 $0x7, s12;
	s13 =	smul.u32 $0x70, s30  }
0x1d: {  	[tilespmem:s15+$0x3060 ss:$0x81] =	vst.msk $0xffff, v62;
	s12 =	sshll.u32 s12, $0x12;
	s16 =	sadd.s32 s6, s31  }
0x1e: {  	[tilespmem:s15+$0x0 ss:$0x81] =	vst.msk $0xffff, v63;
	s12 =	sor.u32 $0x400, s12;
	s13 =	sadd.s32 s13, s16  }
0x1f: {  	[hbm4b:s13+s12] =	stream.strided.scatter [tilespmem:s14], [sflag:$0x2], $0x4000, s8, s12, $0x20;
	[tilespmem:$0x10100] =	vst v63  }
.LBB1_5:
0x20: {  	s14 =	sadd.s32 $0x1000, s9  }
0x21: {  	s12 =	sadd.s32 $0x80, s10;
	s16 =	smov.u32 s10;
	p2 =	sgt.s32 s14, $0x5FFF  }
0x22: {  	s16 =	smov.u32 @p2 s12  }
0x23: {  	s14 =	smov.u32 @p2 s2;
	p2 =	sgt.s32 s16, $0x30F  }
0x24: {  	s16 =	simm.s32 @p2 $0x0;
	p2 =	sne.s32 s11, s7  }
.Ltmp1:
0x25: {  	p1 =	slt.u32 s11, $0x2;
	(pc) =	sbr.rel @!p2 .LBB1_6-.Ltmp1, $4  }
0x26: {  	s15 =	simm.s32 @!p1 $0x2  }
0x27: {  	s13 =	smov.u32 s9;
	p0 =	por !p0, !p0;
	_ =	swait.ge @!p1 [sflag:s15], $0x4000  }
0x28: {  	s12 =	smov.u32 s10;
	[sflag:s15] =	ssyncset.done @!p1 $0x0;
	s9 =	smov.u32 s14  }
0x29: {  	s11 =	sadd.s32 $0x1, s11;
	[sflag:s15] =	ssyncadd.s32 @!p1 $0xFFFFC000;
	s10 =	smov.u32 s16  }
.LBB1_1:
0x2a: {  	p1 =	sge.u32 s11, s5  }
0x2b: {  	s19 =	smov.u32 s9;
	s31 =	sadd.s32 $0xFFFFFFFF, s11;
	s14 =	sshrl.u32 @!p1 s10, $0x3  }
0x2c: {  	s15 =	sshll.u32 @!p1 s9, $0x3;
	s16 =	sshll.u32 @!p1 s10, $0x7;
	s17 =	sand.u32 @!p1 $0x7F, s9  }
0x2d: {  	p2 =	sgt.s32 @!p1 s10, $0x290;
	s18 =	sshra.s32 @!p1 s10, $0x1F;
	s14 =	smul.u32 @!p1 $0x30000, s14  }
0x2e: {  	s20 =	sshra.s32 @!p1 s9, $0x1F;
	s15 =	sand.u32 @!p1 $0xFFFFFC00, s15;
	s16 =	sand.u32 @!p1 $0x380, s16  }
0x2f: {  	p2 =	por !p2, p1;
	s14 =	sadd.s32 @!p1 s14, s15;
	s15 =	sor.u32 @!p1 s17, s16  }
0x30: {  	s18 =	sand.u32 @!p1 s18, s10;
	s17 =	smov.u32 s10;
	s15 =	sor.u32 @!p1 s14, s15  }
0x31: {  	s14 =	smulhi.u32 @!p1 $0xAAAAAAAB, s14;
	s17 =	simm.s32 @p2 $0x290;
	p2 =	sgt.s32 @!p1 s9, $0x5F80  }
0x32: {  	s20 =	sand.u32 @!p1 s20, s9;
	s16 =	smulhi.u32 @!p1 $0xAAAAAAAB, s15;
	p2 =	por !p2, p1  }
0x33: {  	s17 =	ssub.s32 @!p1 s17, s18;
	s19 =	simm.s32 @p2 $0x5F80;
	s14 =	sshrl.u32 @!p1 s14, $0xE  }
0x34: {  	s16 =	sshrl.u32 @!p1 s16, $0xE;
	s18 =	ssub.s32 @!p1 s19, s20;
	s19 =	smulhi.u32 @!p1 $0x539783, s14  }
0x35: {  	s20 =	sadd.s32 @!p1 $0xFFFFFD70, s17;
	s17 =	ssub.s32 @!p1 $0x310, s17;
	s16 =	smul.u32 @!p1 $0x6000, s16  }
0x36: {  	s21 =	sadd.s32 @!p1 $0xFFFFA080, s18;
	p2 =	sgt.s32 @!p1 s20, $0x7F;
	s18 =	ssub.s32 @!p1 $0x6000, s18  }
0x37: {  	p3 =	sgt.s32 @!p1 s21, $0x7F;
	s19 =	smul.u32 @!p1 $0x310, s19;
	p2 =	por !p2, p1  }
0x38: {  	s15 =	ssub.s32 @!p1 s15, s16;
	s16 =	sxor.u32 @!p1 $0xFFFFFFFF, s11;
	p3 =	por !p3, p1  }
0x39: {  	s17 =	simm.s32 @!p2 $0x0;
	s16 =	sshll.u32 @!p1 s16, $0xE;
	s18 =	simm.s32 @!p3 $0x0  }
0x3a: {  	s14 =	ssub.s32 @!p1 s14, s19;
	s16 =	sand.u32 @!p1 $0x4000, s16;
	s17 =	smul.u32 @!p1 s17, s18  }
0x3b: {  	s14 =	smul.u32 @!p1 $0xC00, s14;
	s18 =	sshrl.u32 @!p1 s15, $0x3;
	s15 =	sand.u32 @!p1 $0x7, s15  }
0x3c: {  	s18 =	sadd.s32 @!p1 s3, s18;
	s15 =	sshll.u32 @!p1 s15, $0x12;
	s17 =	sand.u32 @!p1 $0x3FFFFFFF, s17  }
0x3d: {  	s14 =	sadd.s32 @!p1 s14, s18;
	s15 =	sor.u32 @!p1 $0x400, s15;
	s18 =	simm.s32 @!p1 $0x30000  }
0x3e: {  	[tilespmem:s16], [sflag:$0x1] =	stream.strided.gather @!p1 [hbm4b:s14+s15], s17, s18, s15, $0x38;
	[tilespmem:$0x10100] =	vst v63  }
0x3f: {  	p1 =	sge.u32 s31, s5  }
.Ltmp2:
0x40: {  	_ = 	snop;
	(pc) =	sbr.rel @p1 .LBB1_5-.Ltmp2, $1  }
0x41: {  	_ =	sdelay $0x3  }
0x42: {  	p1 =	sgt.s32 s12, $0x290  }
0x43: {  	s14 =	smov.u32 s12;
	s15 =	sshra.s32 s12, $0x1F;
	s16 =	smov.u32 s13  }
0x44: {  	s17 =	sshra.s32 s13, $0x1F;
	s14 =	simm.s32 @!p1 $0x290;
	p1 =	sgt.s32 s13, $0x5F80  }
0x45: {  	s15 =	sand.u32 s15, s12;
	s26 =	sand.u32 s17, s13;
	s16 =	simm.s32 @!p1 $0x5F80  }
0x46: {  	s14 =	ssub.s32 s14, s15;
	s15 =	ssub.s32 s16, s26  }
0x47: {  	s27 =	sadd.s32 $0xFFFFFD70, s14;
	s14 =	ssub.s32 $0x310, s14;
	s16 =	sadd.s32 $0xFFFFA080, s15  }
0x48: {  	p1 =	sgt.s32 s27, $0x7F;
	s15 =	ssub.s32 $0x6000, s15;
	p2 =	sgt.s32 s16, $0x7F  }
0x49: {  	s14 =	simm.s32 @p1 $0x0;
	s15 =	simm.s32 @p2 $0x0  }
0x4a: {  	s14 =	smul.u32 s14, s15;
	_ =	sdelay $0x1  }
0x4b: {  	s15 =	simm.s32 $0x1;
	s14 =	sand.u32 $0x3FFFFFFF, s14  }
0x4c: {  	s15 =	simm.s32 @!p0 $0x0;
	_ =	swait.ge [sflag:s4], s14  }
0x4d: {  	s28 =	sshll.u32 s15, $0xE;
	s14 =	ssub.s32 $0x0, s14;
	[sflag:s4] =	ssyncset.done $0x0  }
0x4e: {  	s29 =	sor.u32 $0x40, s28;
	[sflag:s4] =	ssyncadd.s32 s14  }
0x4f: {  	s30 =	smul.u32 $0x10200, s15;
	v0 =	vld [tilespmem:s29+$0x30]  }
0x50: {  	v1 =	vld [tilespmem:s29+$0xFFFFFFD0]  }
0x51: {  	s14 =	sshrl.u32 s30, $0x2;
	v5 =	vld [tilespmem:s29+$0xFFFFFFE0]  }
0x52: {  	s15 =	sor.u32 $0x8000, s14;
	v6 =	vld [tilespmem:s29+$0xFFFFFFF0]  }
0x53: {  	s31 =	sand.u32 $0x1, s11;
	v3 =	vld [tilespmem:s29+$0x0];
	s16 =	sadd.s32 $0x0, s15  }
0x54: {  	s14 =	smul.u32 $0x10200, s31;
	v4 =	vld [tilespmem:s29+$0x10];
	[tilespmem:s16+$0x3870 ss:$0x81] =	vst.msk $0xffff, v0  }
0x55: {  	v2 =	vld [tilespmem:s29+$0x20];
	[tilespmem:s16+$0x810 ss:$0x81] =	vst.msk $0xffff, v1  }
0x56: {  	s17 =	sadd.s32 $0x80, s29;
	s14 =	sshrl.u32 s14, $0x2;
	v0 =	vld [tilespmem:s29+$0xFFFFFFC0];
	[tilespmem:s16+$0x1020 ss:$0x81] =	vst.msk $0xffff, v5  }
0x57: {  	s18 =	simm.s32 $0x4;
	s19 =	simm.s32 $0x8;
	s14 =	sor.u32 $0x8000, s14;
	v1 =	vld [tilespmem:s17+$0x30];
	[tilespmem:s16+$0x1830 ss:$0x81] =	vst.msk $0xffff, v6  }
.LBB1_3:
0x58: {  	p1 =	sne.s32 s19, $0x1FC;
	v5 =	vld [tilespmem:s17+$0xFFFFFFD0];
	[tilespmem:s16+$0x2040 ss:$0x81] =	vst.msk $0xffff, v3  }
0x59: {  	v6 =	vld [tilespmem:s17+$0xFFFFFFE0];
	[tilespmem:s16+$0x2850 ss:$0x81] =	vst.msk $0xffff, v4  }
0x5a: {  	s20 =	sshra.s32 s18, $0x2;
	s18 =	smov.u32 s19;
	v7 =	vld [tilespmem:s17+$0xFFFFFFF0];
	[tilespmem:s16+$0x3060 ss:$0x81] =	vst.msk $0xffff, v2  }
.Ltmp3:
0x5b: {  	v3 =	vld [tilespmem:s17+$0x0];
	[tilespmem:s16+$0x0 ss:$0x81] =	vst.msk $0xffff, v0;
	s16 =	sadd.s32 s20, s15;
	(pc) =	sbr.rel @p1 .LBB1_3-.Ltmp3, $4  }
0x5c: {  	v4 =	vld [tilespmem:s17+$0x10];
	[tilespmem:s16+$0x3870 ss:$0x81] =	vst.msk $0xffff, v1  }
0x5d: {  	[tilespmem:s16+$0x810 ss:$0x81] =	vst.msk $0xffff, v5;
	v2 =	vld [tilespmem:s17+$0x20]  }
0x5e: {  	v0 =	vld [tilespmem:s17+$0xFFFFFFC0];
	[tilespmem:s16+$0x1020 ss:$0x81] =	vst.msk $0xffff, v6;
	s17 =	sadd.s32 $0x80, s17  }
0x5f: {  	s19 =	sadd.s32 $0x4, s19;
	v1 =	vld [tilespmem:s17+$0x30];
	[tilespmem:s16+$0x1830 ss:$0x81] =	vst.msk $0xffff, v7  }
.Ltmp4:
0x60: {  	_ = 	snop;
	(pc) =	sbr.rel .LBB1_4-.Ltmp4, $1  }
0x61: {  	_ =	sdelay $0x3  }
.LBB1_6:
0x62: {  	_ =	sfence.sel $0x180000  }
0x63: {  	s2 =	simm.s32 $0x1;
	[bflag:$0x0] =	sbarrier.arrive $0xFFFF  }
0x64: {  	s31 =	simm.s32 $0x2;
	[sflag:s2] =	ssyncpa.u1 $0x1  }
0x65: {  	[sflag:s31] =	ssyncpa.u1 $0x1  }
0x66: {  	p0 =	sne.s32 s0, $0x0;
	_ =	strace $0x9000004A  }
0x67: {  	s0 =	sadd.s32 @!p0 $0x100000, s1;
	[bflag:$0x2] =	sbarrier.arrive $0xFFFF  }
0x68: {  	[sflag:s0] =	ssyncadd.tile.s32 @!p0 $0x1;
	_ =	shalt  }
.Lfunc_end1:
_tile_overlayer_lowered:
.L_overlay_start_2:
0x69: {  	(tag) =	ssettag $0x2  }
0x6a: {  	s0 =	rddreg [dreg:$0x0];
	s2 =	stileid.u32  }
0x6b: {  	s1 =	rddreg [dreg:$0x1];
	p0 =	sne.s32 s2, $0x0  }
0x6c: {  	s3 =	rddreg [dreg:$0x2];
	[bflag:$0x3] =	sbarrier.arrive $0xFFFF;
	s2 =	simm.s32 @!p0 $0x1C01  }
0x6d: {  	[timem:s3], [sflag:s2] =	dma.local @!p0 [hbm:s0], s1  }
0x6e: {  	s0 =	simm.s32 @!p0 $0x1  }
0x6f: {  	_ =	swait.ge @!p0 [sflag:s0], s1  }
0x70: {  	s1 =	ssub.s32 @!p0 $0x0, s1;
	[sflag:s0] =	ssyncset.done @!p0 $0x0  }
0x71: {  	[sflag:s0] =	ssyncadd.s32 @!p0 s1  }
0x72: {  	[bflag:$0x3] =	sbarrier.arrive $0xFFFF  }
0x73: {  	_ =	shalt  }

// kernel: sparse-core-data-format-call.2.cloned.1.call-start
scs
called_computation.2_lowered:
.L_overlay_start_0:
0x0: {  	s2 =	sld [smem:$0x3FD9]  }
0x1: {  	s3 =	sld [smem:$0x3FFE];
	_ =	sdelay $0x1  }
0x2: {  	s1 =	srdreg.scid  }
0x3: {  	s0 =	sand.u32 $0x1, s1  }
0x4: {  	s19 =	sshll.u32 s0, $0xA;
	s2 =	sadd.s32 s3, s2  }
0x5: {  	s2 =	sadd.s32 s2, s19  }
0x6: {  	[smem:$0x3FC5] =	sst s2  }
0x7: {  	_ = 	snop  }
0x8: {  	s2 =	sld [smem:$0x3FC9]  }
0x9: {  	s20 =	sld [smem:$0x3FD0];
	(tm) =	ssettm $0x1  }
0xa: {  	s4 =	sld [smem:$0x3FFB];
	_ =	sdelay $0x3  }
0xb: {  	_ =	strace s4  }
0xc: {  	s4 =	sld [smem:$0x3FFC];
	_ =	sdelay $0x3  }
0xd: {  	_ =	strace s4  }
0xe: {  	s4 =	sld [smem:$0x3FFD];
	_ =	sdelay $0x3  }
0xf: {  	_ =	strace s4  }
0x10: {  	_ =	strace $0x8FFFFFFF  }
0x11: {  	s21 =	sld [smem:$0x3FDB];
	_ =	sdelay $0x1  }
0x12: {  	s5 =	simm.s32 $_scs_section_size  }
0x13: {  	s6 =	simm.s32 $_size__tile_overlayer_lowered;
	s7 =	simm.s32 $_tile_overlayer_lowered  }
0x14: {  	s24 =	simm.s32 $0x1BFF;
	s23 =	sshll.u32 s7, $0x1;
	s4 =	sadd.s32 s5, s21  }
0x15: {  	s8 =	simm.s32 $0x0;
	s22 =	sshll.u32 s6, $0x1;
	s6 =	sadd.s32 s23, s4  }
0x16: {  	[timem:s8], [sflag:s24] =	dma.local [hbm:s6], s22  }
0x17: {  	_ =	swait.ge [sflag:s24], s22  }
0x18: {  	s5 =	ssub.s32 $0x0, s22;
	[sflag:s24] =	ssyncset.done $0x0  }
0x19: {  	[sflag:s24] =	ssyncadd.s32 s5;
	_ =	sdelay $0x1  }
0x1a: {  	s25 =	simm.s32 $0x1B8B  }
0x1b: {  	_ =	swait.ge [sflag:s25], $0x1  }
0x1c: {  	[sflag:s25] =	ssyncset.done $0x0  }
0x1d: {  	s26 =	simm.s32 $0x1B8E;
	[sflag:s25] =	ssyncadd.s32 $0xFFFFFFFF  }
0x1e: {  	s27 =	simm.s32 $execute0_lowered;
	[smem:$0x3FD2] =	sst s26  }
0x1f: {  	s5 =	sshll.u32 s27, $0x1;
	_ =	strace $0x80000046;
	[dreg:$0x1] =	wrdreg $0xFFFFFFFF  }
0x20: {  	s28 =	simm.s32 $_size_execute0_lowered;
	s4 =	sadd.s32 s4, s5;
	[dreg:$0x0] =	wrdreg $0x0  }
0x21: {  	s5 =	sshll.u32 s28, $0x1;
	[dreg:$0x2] =	wrdreg s4  }
0x22: {  	[dreg:$0x3] =	wrdreg s5  }
0x23: {  	[dreg:$0x4] =	wrdreg $0xC0  }
0x24: {  	_ =	task [dreg:s8], $0x5FFFF  }
0x25: {  	[dreg:$0x1] =	wrdreg $0xFFFFFFFF  }
0x26: {  	[dreg:$0x0] =	wrdreg $0x60  }
0x27: {  	[dreg:$0x2] =	wrdreg s2  }
0x28: {  	[dreg:$0x3] =	wrdreg s20  }
0x29: {  	[dreg:$0x4] =	wrdreg $0x9  }
0x2a: {  	_ =	task.clear_ibuf [dreg:s8], $0x5FFFF;
	_ =	strace $0x90000046  }
0x2b: {  	s29 =	simm.s32 $0x9;
	_ =	strace $0x80000048  }
0x2c: {  	_ =	swait.ge [sflag:s29], $0x1  }
0x2d: {  	[sflag:s29] =	ssyncadd.s32 $0xFFFFFFFF  }
0x2e: {  	_ =	strace $0x90000048  }
0x2f: {  	_ =	sfence  }
0x30: {  	s30 =	sld [smem:$0x0];
	_ =	sdelay $0x2  }
0x31: {  	s31 =	sshll.u32 s1, $0xD;
	s1 =	sshrl.u32 s1, $0x2  }
0x32: {  	s3 =	sand.u32 $0x4000, s31;
	s1 =	sadd.s32 s1, s30  }
0x33: {  	s0 =	sor.u32 s3, s0;
	s1 =	sshll.u32 s1, $0x11  }
0x34: {  	s0 =	sor.u32 s1, s0  }
0x35: {  	s0 =	sadd.s32 $0x8F2B, s0  }
0x36: {  	[sflag:s0] =	ssyncadd.remote.s32 $0x1  }
0x37: {  	_ =	sfence.sel $0xFFFF  }
0x38: {  	[dreg:$0x0] =	wrdreg $0xFFFFFFFF;
	(pc) =	sbr.abs _section_cstart, $3  }
0x39: {  	[dreg:$0x1] =	wrdreg $0xFFFFFFFF  }
0x3a: {  	_ =	task.clear_ibuf [dreg:s8], $0x2FFFF;
	_ =	strace $0x9FFFFFFF  }
0x3b: {  	(tm) =	ssettm $0x7FFFFFFF  }
tec
execute0_lowered:
.L_overlay_start_1:
0x0: {  	(tag) =	ssettag $0x1  }
0x1: {  	s0 =	srdreg.scid  }
0x2: {  	s0 =	sshll.u32 s0, $0x2  }
0x3: {  	s7 =	simm.s32 $0x2;
	s1 =	sand.u32 $0x4, s0  }
0x4: {  	s16 =	simm.s32 $0x0;
	s8 =	simm.s32 $0x1800;
	s2 =	ssub.s32 $0x8, s1  }
0x5: {  	s9 =	simm.s32 $0x0;
	s0 =	stileid.u32;
	s3 =	sshrl.u32 s2, $0x2  }
0x6: {  	s4 =	ssub.s32 $0x71, s0;
	s2 =	sshrl.u32 s2, $0x3;
	s5 =	sand.u32 $0x1, s3  }
0x7: {  	s15 =	simm.s32 $0x0;
	s6 =	sshrl.u32 s4, $0x4;
	s2 =	sadd.s32 s2, s5  }
0x8: {  	s18 =	simm.s32 $0x0;
	s17 =	simm.s32 $0x0;
	s6 =	smul.u32 s2, s6  }
.Ltmp0:
0x9: {  	s10 =	simm.s32 $0x0;
	s4 =	rddreg [dreg:$0x1];
	(pc) =	sbr.rel .LBB1_1-.Ltmp0, $4  }
0xa: {  	s11 =	simm.s32 $0x0;
	s3 =	rddreg [dreg:$0x0];
	s5 =	simm.s32 $0x1  }
0xb: {  	s2 =	rddreg [dreg:$0x2];
	_ =	strace $0x80000047;
	s6 =	smul.u32 $0x6, s6  }
0xc: {  	s13 =	stileid.u32;
	s14 =	simm.s32 $0x0;
	[sflag:s5] =	ssyncpa.u1 $0x0  }
0xd: {  	s12 =	smov.u32 s1;
	[sflag:s7] =	ssyncpa.u1 $0x0;
	s7 =	sor.u32 $0x1, s6  }
.LBB1_7:
0xe: {  	s19 =	sadd.s32 $0x80, s10  }
0xf: {  	s15 =	sadd.s32 $0x20, s11;
	s20 =	smov.u32 s11;
	p1 =	sgt.s32 s19, $0x2FF  }
0x10: {  	s20 =	smov.u32 @p1 s15  }
0x11: {  	s21 =	smov.u32 s12;
	s15 =	sadd.s32 $0x8, s12;
	p2 =	sgt.s32 s20, $0x1F  }
0x12: {  	s21 =	smov.u32 @p2 s15  }
0x13: {  	s22 =	smov.u32 s13;
	s15 =	sadd.s32 $0x10, s13;
	p3 =	sgt.s32 s21, $0x7  }
0x14: {  	p0 =	slt.u32 s14, $0x2;
	s22 =	smov.u32 @p3 s15  }
0x15: {  	s16 =	smov.u32 s10;
	s19 =	simm.s32 @p1 $0x0;
	p1 =	sgt.s32 s22, $0x61  }
0x16: {  	s23 =	simm.s32 @!p0 $0x2;
	s22 =	smov.u32 @p1 s0;
	p1 =	sne.s32 s14, s7  }
.Ltmp1:
0x17: {  	s18 =	smov.u32 s12;
	_ =	swait.ge @!p0 [sflag:s23], $0x4000;
	(pc) =	sbr.rel @!p1 .LBB1_8-.Ltmp1, $4  }
0x18: {  	s17 =	smov.u32 s13;
	s9 =	sadd.s32 $0x4000, s9;
	[sflag:s23] =	ssyncset.done @!p0 $0x0  }
0x19: {  	s10 =	smov.u32 s19;
	s20 =	simm.s32 @p2 $0x0;
	[sflag:s23] =	ssyncadd.s32 @!p0 $0xFFFFC000  }
0x1a: {  	s21 =	smov.u32 @p3 s1;
	s15 =	smov.u32 s11;
	s11 =	smov.u32 s20  }
0x1b: {  	s12 =	smov.u32 s21;
	s14 =	sadd.s32 $0x1, s14;
	s13 =	smov.u32 s22  }
.LBB1_1:
0x1c: {  	p0 =	sge.u32 s14, s6  }
0x1d: {  	s19 =	sshrl.u32 @!p0 s11, $0x3  }
0x1e: {  	s20 =	sshll.u32 @!p0 s10, $0x3;
	s19 =	smul.u32 @!p0 $0x1800, s19  }
0x1f: {  	s21 =	sshll.u32 @!p0 s11, $0x7;
	s20 =	sand.u32 @!p0 $0xFFFFFC00, s20  }
0x20: {  	s19 =	sadd.s32 @!p0 s19, s20;
	s20 =	sand.u32 @!p0 $0x380, s21  }
0x21: {  	s21 =	sand.u32 @!p0 $0x7F, s10;
	s19 =	sor.u32 @!p0 s20, s19  }
0x22: {  	s20 =	sor.u32 @!p0 s21, s19  }
0x23: {  	s21 =	smulhi.u32 @!p0 $0xAAAAAAAB, s20  }
0x24: {  	s19 =	smulhi.u32 @!p0 $0xAAAAAAAB, s19  }
0x25: {  	s31 =	sadd.s32 $0xFFFFFFFF, s14;
	s23 =	smul.u32 @!p0 $0x6000, s13;
	s21 =	sshrl.u32 @!p0 s21, $0x9  }
0x26: {  	s22 =	sxor.u32 @!p0 $0xFFFFFFFF, s14;
	s19 =	sshrl.u32 @!p0 s19, $0x9;
	s21 =	smul.u32 @!p0 $0x300, s21  }
0x27: {  	s24 =	smul.u32 @!p0 $0xC00, s12;
	s22 =	sshll.u32 @!p0 s22, $0xE;
	s19 =	sand.u32 @!p0 $0x1F, s19  }
0x28: {  	s19 =	smul.u32 @!p0 $0x60, s19;
	s20 =	ssub.s32 @!p0 s20, s21;
	s21 =	sadd.s32 @!p0 s3, s23  }
0x29: {  	s22 =	sand.u32 @!p0 $0x4000, s22;
	s21 =	sadd.s32 @!p0 s24, s21;
	s23 =	sand.u32 @!p0 $0x7, s20  }
0x2a: {  	s20 =	sshrl.u32 @!p0 s20, $0x3;
	s19 =	sadd.s32 @!p0 s19, s21;
	s21 =	sshll.u32 @!p0 s23, $0x12  }
0x2b: {  	s19 =	sadd.s32 @!p0 s20, s19;
	s20 =	sor.u32 @!p0 $0x400, s21;
	s21 =	simm.s32 @!p0 $0x1800  }
0x2c: {  	[tilespmem:s22], [sflag:$0x1] =	stream.strided.gather @!p0 [hbm4b:s19+s20], $0x4000, s21, s20, $0x38;
	[tilespmem:$0x10000] =	vst v63  }
0x2d: {  	p0 =	sge.u32 s31, s6  }
.Ltmp2:
0x2e: {  	_ = 	snop;
	(pc) =	sbr.rel @p0 .LBB1_7-.Ltmp2, $1  }
0x2f: {  	_ =	sdelay $0x3  }
0x30: {  	s19 =	sand.u32 $0x4000, s9  }
0x31: {  	_ =	swait.ge [sflag:s5], $0x4000;
	s22 =	sshll.u32 s14, $0xE;
	s20 =	sor.u32 $0x8040, s19  }
0x32: {  	s21 =	sor.u32 $0x40, s19;
	[sflag:s5] =	ssyncset.done $0x0;
	s31 =	sand.u32 $0x4000, s22  }
0x33: {  	s22 =	simm.s32 $0x0;
	[sflag:s5] =	ssyncadd.s32 $0xFFFFC000;
	s19 =	sor.u32 $0x8000, s31  }
.LBB1_3:
0x34: {  	v0 =	vmov s21;
	_ =	sdelay $0x3  }
0x35: {  	s24 =	simm.s32 $0x0  }
0x36: {  	v6 =	vld.idx.msk [tilespmem:v0+s24+$0x30 ss:$0x1], $0xffff  }
0x37: {  	v7 =	vld.idx.msk [tilespmem:v0+s24+$0xFFFFFFC0 ss:$0x1], $0xffff  }
0x38: {  	v5 =	vld.idx.msk [tilespmem:v0+s24+$0xFFFFFFD0 ss:$0x1], $0xffff  }
0x39: {  	v4 =	vld.idx.msk [tilespmem:v0+s24+$0xFFFFFFE0 ss:$0x1], $0xffff  }
0x3a: {  	v3 =	vld.idx.msk [tilespmem:v0+s24+$0xFFFFFFF0 ss:$0x1], $0xffff  }
0x3b: {  	v1 =	vld.idx.msk [tilespmem:v0+s24+$0x0 ss:$0x1], $0xffff  }
0x3c: {  	v2 =	vld.idx.msk [tilespmem:v0+s24+$0x10 ss:$0x1], $0xffff;
	[tilespmem:s20+$0x30] =	vst v6  }
0x3d: {  	s23 =	simm.s32 $0x80;
	s25 =	simm.s32 $0x400;
	[tilespmem:s20+$0xFFFFFFC0] =	vst v7;
	v6 =	vld.idx.msk [tilespmem:v0+s24+$0x20 ss:$0x1], $0xffff;
	s24 =	smov.u32 s20  }
.LBB1_4:
0x3e: {  	p0 =	sne.s32 s25, $0x3E00;
	v7 =	vld.idx.msk [tilespmem:v0+s23+$0x30 ss:$0x1], $0xffff;
	[tilespmem:s24+$0xFFFFFFD0] =	vst v5  }
0x3f: {  	v8 =	vld.idx.msk [tilespmem:v0+s23+$0xFFFFFFC0 ss:$0x1], $0xffff;
	[tilespmem:s24+$0xFFFFFFE0] =	vst v4  }
0x40: {  	v5 =	vld.idx.msk [tilespmem:v0+s23+$0xFFFFFFD0 ss:$0x1], $0xffff;
	[tilespmem:s24+$0xFFFFFFF0] =	vst v3  }
.Ltmp3:
0x41: {  	v4 =	vld.idx.msk [tilespmem:v0+s23+$0xFFFFFFE0 ss:$0x1], $0xffff;
	[tilespmem:s24+$0x0] =	vst v1;
	(pc) =	sbr.rel @p0 .LBB1_4-.Ltmp3, $4  }
0x42: {  	v3 =	vld.idx.msk [tilespmem:v0+s23+$0xFFFFFFF0 ss:$0x1], $0xffff;
	[tilespmem:s24+$0x10] =	vst v2  }
0x43: {  	v1 =	vld.idx.msk [tilespmem:v0+s23+$0x0 ss:$0x1], $0xffff;
	[tilespmem:s24+$0x20] =	vst v6;
	s24 =	sadd.s32 $0x200, s24  }
0x44: {  	v2 =	vld.idx.msk [tilespmem:v0+s23+$0x10 ss:$0x1], $0xffff;
	[tilespmem:s24+$0x30] =	vst v7  }
0x45: {  	[tilespmem:s24+$0xFFFFFFC0] =	vst v8;
	v6 =	vld.idx.msk [tilespmem:v0+s23+$0x20 ss:$0x1], $0xffff;
	s23 =	sshra.s32 s25, $0x2;
	s25 =	sadd.s32 $0x200, s25  }
0x46: {  	_ =	sdelay $0x2  }
0x47: {  	[tilespmem:s24+$0xFFFFFFD0] =	vst v5  }
0x48: {  	v56 =	vld.idx.msk [tilespmem:v0+s23+$0x30 ss:$0x1], $0xffff;
	[tilespmem:s24+$0xFFFFFFE0] =	vst v4  }
0x49: {  	v57 =	vld.idx.msk [tilespmem:v0+s23+$0xFFFFFFC0 ss:$0x1], $0xffff;
	[tilespmem:s24+$0xFFFFFFF0] =	vst v3  }
0x4a: {  	v58 =	vld.idx.msk [tilespmem:v0+s23+$0xFFFFFFD0 ss:$0x1], $0xffff;
	[tilespmem:s24+$0x0] =	vst v1  }
0x4b: {  	v59 =	vld.idx.msk [tilespmem:v0+s23+$0xFFFFFFE0 ss:$0x1], $0xffff;
	[tilespmem:s24+$0x10] =	vst v2  }
0x4c: {  	v60 =	vld.idx.msk [tilespmem:v0+s23+$0xFFFFFFF0 ss:$0x1], $0xffff;
	s31 =	sadd.s32 $0x200, s24;
	[tilespmem:s24+$0x20] =	vst v6  }
0x4d: {  	v61 =	vld.idx.msk [tilespmem:v0+s23+$0x0 ss:$0x1], $0xffff;
	[tilespmem:s31+$0x30] =	vst v56  }
0x4e: {  	v62 =	vld.idx.msk [tilespmem:v0+s23+$0x10 ss:$0x1], $0xffff;
	s22 =	sadd.s32 $0x1, s22;
	[tilespmem:s31+$0xFFFFFFC0] =	vst v57  }
0x4f: {  	v63 =	vld.idx.msk [tilespmem:v0+s23+$0x20 ss:$0x1], $0xffff;
	p0 =	sne.s32 s22, $0x4;
	[tilespmem:s31+$0xFFFFFFD0] =	vst v58  }
.Ltmp4:
0x50: {  	[tilespmem:s31+$0xFFFFFFE0] =	vst v59;
	(pc) =	sbr.rel @p0 .LBB1_3-.Ltmp4, $4  }
0x51: {  	[tilespmem:s31+$0xFFFFFFF0] =	vst v60  }
0x52: {  	[tilespmem:s31+$0x0] =	vst v61  }
0x53: {  	[tilespmem:s31+$0x10] =	vst v62  }
0x54: {  	s20 =	sadd.s32 $0x80, s20;
	s21 =	sadd.s32 $0x1000, s21;
	[tilespmem:s31+$0x20] =	vst v63  }
0x55: {  	s20 =	sshrl.u32 s18, $0x3  }
0x56: {  	s21 =	sshll.u32 s16, $0x3;
	s20 =	smul.u32 $0x1800, s20  }
0x57: {  	s27 =	sshll.u32 s18, $0x7;
	s21 =	sand.u32 $0xFFFFFC00, s21  }
0x58: {  	s18 =	sand.u32 $0x380, s27;
	s20 =	sadd.s32 s20, s21  }
0x59: {  	s28 =	sand.u32 $0x7F, s16;
	s18 =	sor.u32 s18, s20  }
0x5a: {  	s16 =	sor.u32 s28, s18;
	s18 =	smulhi.u32 $0xAAAAAAAB, s18  }
0x5b: {  	s29 =	smulhi.u32 $0xAAAAAAAB, s16  }
0x5c: {  	s17 =	smul.u32 $0x6000, s17  }
0x5d: {  	s15 =	smul.u32 $0x300, s15;
	s18 =	sshrl.u32 s18, $0x9;
	s20 =	sshrl.u32 s29, $0x9  }
0x5e: {  	s18 =	sand.u32 $0x7, s18;
	s20 =	smul.u32 $0x300, s20  }
0x5f: {  	s18 =	smul.u32 $0x60, s18  }
.Ltmp5:
0x60: {  	s17 =	sadd.s32 s4, s17;
	s16 =	ssub.s32 s16, s20;
	(pc) =	sbr.rel .LBB1_7-.Ltmp5, $4  }
0x61: {  	s15 =	sadd.s32 s15, s17;
	s30 =	sand.u32 $0x7, s16  }
0x62: {  	s15 =	sadd.s32 s18, s15;
	s16 =	sshrl.u32 s16, $0x3;
	s17 =	sshll.u32 s30, $0x12  }
0x63: {  	s15 =	sadd.s32 s16, s15;
	s31 =	sor.u32 $0x200, s17  }
0x64: {  	[hbm4b:s15+s31] =	stream.strided.scatter [tilespmem:s19], [sflag:$0x2], $0x4000, s8, s31, $0x38;
	[tilespmem:$0x10000] =	vst v63  }
.LBB1_8:
0x65: {  	_ =	sfence.sel $0x180000  }
0x66: {  	s1 =	simm.s32 $0x1;
	[bflag:$0x0] =	sbarrier.arrive $0xFFFF  }
0x67: {  	s31 =	simm.s32 $0x2;
	[sflag:s1] =	ssyncpa.u1 $0x1  }
0x68: {  	[sflag:s31] =	ssyncpa.u1 $0x1  }
0x69: {  	p0 =	sne.s32 s0, $0x0;
	_ =	strace $0x90000047  }
0x6a: {  	s0 =	sadd.s32 @!p0 $0x100000, s2;
	[bflag:$0x2] =	sbarrier.arrive $0xFFFF  }
0x6b: {  	[sflag:s0] =	ssyncadd.tile.s32 @!p0 $0x1;
	_ =	shalt  }
.Lfunc_end1:
_tile_overlayer_lowered:
.L_overlay_start_2:
0x6c: {  	(tag) =	ssettag $0x2  }
0x6d: {  	s0 =	rddreg [dreg:$0x0];
	s2 =	stileid.u32  }
0x6e: {  	s1 =	rddreg [dreg:$0x1];
	p0 =	sne.s32 s2, $0x0  }
0x6f: {  	s3 =	rddreg [dreg:$0x2];
	[bflag:$0x3] =	sbarrier.arrive $0xFFFF;
	s2 =	simm.s32 @!p0 $0x1C01  }
0x70: {  	[timem:s3], [sflag:s2] =	dma.local @!p0 [hbm:s0], s1  }
0x71: {  	s0 =	simm.s32 @!p0 $0x1  }
0x72: {  	_ =	swait.ge @!p0 [sflag:s0], s1  }
0x73: {  	s1 =	ssub.s32 @!p0 $0x0, s1;
	[sflag:s0] =	ssyncset.done @!p0 $0x0  }
0x74: {  	[sflag:s0] =	ssyncadd.s32 @!p0 s1  }
0x75: {  	[bflag:$0x3] =	sbarrier.arrive $0xFFFF  }
0x76: {  	_ =	shalt  }

// kernel: sparse-core-data-format-call.cloned.1.call-start
scs
called_computation_lowered:
.L_overlay_start_0:
0x0: {  	s2 =	sld [smem:$0x3FD9]  }
0x1: {  	s3 =	sld [smem:$0x3FFE];
	_ =	sdelay $0x1  }
0x2: {  	s1 =	srdreg.scid  }
0x3: {  	s0 =	sand.u32 $0x1, s1  }
0x4: {  	s18 =	sshll.u32 s0, $0xA;
	s2 =	sadd.s32 s3, s2  }
0x5: {  	s2 =	sadd.s32 s2, s18  }
0x6: {  	[smem:$0x3FC5] =	sst s2  }
0x7: {  	_ = 	snop  }
0x8: {  	s2 =	sld [smem:$0x3FD0];
	(tm) =	ssettm $0x1  }
0x9: {  	s19 =	sld [smem:$0x3FFB];
	_ =	sdelay $0x3  }
0xa: {  	_ =	strace s19  }
0xb: {  	s3 =	sld [smem:$0x3FFC];
	_ =	sdelay $0x3  }
0xc: {  	_ =	strace s3  }
0xd: {  	s3 =	sld [smem:$0x3FFD];
	_ =	sdelay $0x3  }
0xe: {  	_ =	strace s3  }
0xf: {  	_ =	strace $0x8FFFFFFF  }
0x10: {  	s20 =	sld [smem:$0x3FDB];
	_ =	sdelay $0x1  }
0x11: {  	s4 =	simm.s32 $_scs_section_size  }
0x12: {  	s5 =	simm.s32 $_size__tile_overlayer_lowered;
	s6 =	simm.s32 $_tile_overlayer_lowered  }
0x13: {  	s23 =	simm.s32 $0x1BFF;
	s22 =	sshll.u32 s6, $0x1;
	s3 =	sadd.s32 s4, s20  }
0x14: {  	s7 =	simm.s32 $0x0;
	s21 =	sshll.u32 s5, $0x1;
	s5 =	sadd.s32 s22, s3  }
0x15: {  	[timem:s7], [sflag:s23] =	dma.local [hbm:s5], s21  }
0x16: {  	_ =	swait.ge [sflag:s23], s21  }
0x17: {  	s4 =	ssub.s32 $0x0, s21;
	[sflag:s23] =	ssyncset.done $0x0  }
0x18: {  	[sflag:s23] =	ssyncadd.s32 s4;
	_ =	sdelay $0x1  }
0x19: {  	s24 =	simm.s32 $0x1B8B  }
0x1a: {  	_ =	swait.ge [sflag:s24], $0x1  }
0x1b: {  	[sflag:s24] =	ssyncset.done $0x0  }
0x1c: {  	s26 =	simm.s32 $0x1B8E;
	s25 =	sld [smem:$0x3FFE];
	[sflag:s24] =	ssyncadd.s32 $0xFFFFFFFF  }
0x1d: {  	s27 =	simm.s32 $execute0_lowered;
	[smem:$0x3FD2] =	sst s26  }
0x1e: {  	s5 =	sshll.u32 s27, $0x1;
	_ =	strace $0x8000004F;
	[dreg:$0x1] =	wrdreg $0xFFFFFFFF  }
0x1f: {  	s28 =	simm.s32 $_size_execute0_lowered;
	s3 =	sadd.s32 s3, s5;
	[dreg:$0x0] =	wrdreg $0x0  }
0x20: {  	s5 =	sshll.u32 s28, $0x1;
	[dreg:$0x2] =	wrdreg s3  }
0x21: {  	[dreg:$0x3] =	wrdreg s5  }
0x22: {  	[dreg:$0x4] =	wrdreg $0xC0  }
0x23: {  	_ =	task [dreg:s7], $0x5FFFF  }
0x24: {  	[dreg:$0x1] =	wrdreg $0xFFFFFFFF  }
0x25: {  	[dreg:$0x0] =	wrdreg $0x60  }
0x26: {  	[dreg:$0x2] =	wrdreg s25  }
0x27: {  	[dreg:$0x3] =	wrdreg s2  }
0x28: {  	[dreg:$0x4] =	wrdreg $0x9  }
0x29: {  	_ =	task.clear_ibuf [dreg:s7], $0x5FFFF;
	_ =	strace $0x9000004F  }
0x2a: {  	s29 =	simm.s32 $0x9;
	_ =	strace $0x80000051  }
0x2b: {  	_ =	swait.ge [sflag:s29], $0x1  }
0x2c: {  	[sflag:s29] =	ssyncadd.s32 $0xFFFFFFFF  }
0x2d: {  	_ =	strace $0x90000051  }
0x2e: {  	_ =	sfence  }
0x2f: {  	s30 =	sld [smem:$0x0];
	_ =	sdelay $0x2  }
0x30: {  	s31 =	sshll.u32 s1, $0xD;
	s1 =	sshrl.u32 s1, $0x2  }
0x31: {  	s3 =	sand.u32 $0x4000, s31;
	s1 =	sadd.s32 s1, s30  }
0x32: {  	s0 =	sor.u32 s3, s0;
	s1 =	sshll.u32 s1, $0x11  }
0x33: {  	s0 =	sor.u32 s1, s0  }
0x34: {  	s0 =	sadd.s32 $0x8F2B, s0  }
0x35: {  	[sflag:s0] =	ssyncadd.remote.s32 $0x1  }
0x36: {  	_ =	sfence.sel $0xFFFF  }
0x37: {  	[dreg:$0x0] =	wrdreg $0xFFFFFFFF;
	(pc) =	sbr.abs _section_cstart, $3  }
0x38: {  	[dreg:$0x1] =	wrdreg $0xFFFFFFFF  }
0x39: {  	_ =	task.clear_ibuf [dreg:s7], $0x2FFFF;
	_ =	strace $0x9FFFFFFF  }
0x3a: {  	(tm) =	ssettm $0x7FFFFFFF  }
0x3b: {  	_ =	shalt  }
tec
execute0_lowered:
.L_overlay_start_1:
0x0: {  	(tag) =	ssettag $0x1  }
0x1: {  	s1 =	rddreg [dreg:$0x0]  }
0x2: {  	s2 =	rddreg [dreg:$0x1]  }
0x3: {  	s0 =	rddreg [dreg:$0x2]  }
0x4: {  	s4 =	srdreg.scid;
	_ =	strace $0x80000050;
	s6 =	simm.s32 $0x2  }
0x5: {  	s15 =	simm.s32 $0x0;
	p0 =	por $0x0, $0x0;
	s14 =	simm.s32 $0x0  }
0x6: {  	s16 =	simm.s32 $0x0;
	s7 =	simm.s32 $0x0;
	s9 =	simm.s32 $0x0  }
.Ltmp0:
0x7: {  	s10 =	simm.s32 $0x0;
	s11 =	simm.s32 $0x0;
	(pc) =	sbr.rel .LBB1_1-.Ltmp0, $4  }
0x8: {  	s12 =	simm.s32 $0x0;
	s3 =	sadd.s32 $0x2A00, s1;
	s4 =	sshll.u32 s4, $0x4  }
0x9: {  	s1 =	stileid.u32;
	s5 =	sand.u32 $0x10, s4;
	s4 =	simm.s32 $0x1  }
0xa: {  	s8 =	simm.s32 $0x0;
	s5 =	sor.u32 s1, s5;
	[sflag:s4] =	ssyncpa.u1 $0x0  }
0xb: {  	[sflag:s6] =	ssyncpa.u1 $0x0;
	s6 =	simm.s32 $0x6000;
	s13 =	smov.u32 s5  }
.LBB1_5:
0xc: {  	p1 =	slt.u32 s8, $0x2;
	s18 =	smov.u32 s16  }
0xd: {  	p2 =	sgt.s32 @!p1 s15, $0x290;
	s17 =	sshra.s32 @!p1 s15, $0x1F;
	p3 =	sgt.s32 @!p1 s16, $0x1F  }
0xe: {  	s19 =	sshra.s32 @!p1 s16, $0x1F;
	p2 =	por !p2, p1;
	s17 =	sand.u32 @!p1 s17, s15  }
0xf: {  	p3 =	por !p3, p1;
	s16 =	sand.u32 @!p1 s19, s16;
	s19 =	sshra.s32 @!p1 s14, $0x1F  }
0x10: {  	s18 =	simm.s32 @p3 $0x1F;
	p3 =	sgt.s32 @!p1 s14, $0x280;
	s15 =	simm.s32 @p2 $0x290  }
0x11: {  	s16 =	ssub.s32 @!p1 s18, s16;
	p3 =	por !p3, p1;
	s18 =	smov.u32 s14  }
0x12: {  	s14 =	sand.u32 @!p1 s19, s14;
	s15 =	ssub.s32 @!p1 s15, s17;
	s18 =	simm.s32 @p3 $0x280  }
0x13: {  	s17 =	sadd.s32 @!p1 $0xFFFFFFE1, s16;
	s16 =	ssub.s32 @!p1 $0x20, s16;
	s14 =	ssub.s32 @!p1 s18, s14  }
0x14: {  	s18 =	sadd.s32 @!p1 $0xFFFFFD70, s15;
	p2 =	sgt.s32 @!p1 s17, $0x0;
	s17 =	sadd.s32 @!p1 $0xFFFFFD80, s14  }
0x15: {  	s15 =	ssub.s32 @!p1 $0x310, s15;
	p2 =	por !p2, p1;
	p3 =	sgt.s32 @!p1 s17, $0x7F  }
0x16: {  	s14 =	ssub.s32 @!p1 $0x300, s14;
	s16 =	simm.s32 @!p2 $0x0;
	p2 =	por !p3, p1  }
0x17: {  	s17 =	sadd.s32 $0x80, s11;
	p3 =	sgt.s32 @!p1 s18, $0x7F;
	s14 =	simm.s32 @!p2 $0x0  }
0x18: {  	s18 =	smov.u32 s12;
	p2 =	por !p3, p1;
	s14 =	smul.u32 @!p1 s16, s14  }
0x19: {  	s15 =	simm.s32 @!p2 $0x0;
	p2 =	sgt.s32 s17, $0x30F;
	s16 =	sadd.s32 $0x80, s12  }
0x1a: {  	s19 =	smov.u32 s13;
	s18 =	smov.u32 @p2 s16  }
0x1b: {  	s14 =	smul.u32 @!p1 s15, s14;
	p3 =	sgt.s32 s18, $0x2FF;
	s15 =	sadd.s32 $0x20, s13  }
0x1c: {  	s8 =	sadd.s32 $0x1, s8;
	p0 =	por !p0, !p0;
	s19 =	smov.u32 @p3 s15  }
0x1d: {  	s20 =	simm.s32 @!p1 $0x2;
	s17 =	simm.s32 @p2 $0x0;
	p2 =	sgt.s32 s19, $0x1F  }
0x1e: {  	s16 =	smov.u32 s10;
	s19 =	smov.u32 @p2 s5;
	p2 =	sne.s32 s8, $0x2C  }
.Ltmp1:
0x1f: {  	s10 =	smov.u32 s13;
	s18 =	simm.s32 @p3 $0x0;
	(pc) =	sbr.rel @!p2 .LBB1_6-.Ltmp1, $4  }
0x20: {  	s15 =	smov.u32 s7;
	s7 =	smov.u32 s11;
	s14 =	sand.u32 @!p1 $0x3FFFFFFF, s14  }
0x21: {  	s11 =	smov.u32 s17;
	_ =	swait.ge @!p1 [sflag:s20], s14;
	s21 =	ssub.s32 @!p1 $0x0, s14  }
0x22: {  	s14 =	smov.u32 s9;
	s9 =	smov.u32 s12;
	[sflag:s20] =	ssyncset.done @!p1 $0x0  }
0x23: {  	s12 =	smov.u32 s18;
	s13 =	smov.u32 s19;
	[sflag:s20] =	ssyncadd.s32 @!p1 s21  }
.LBB1_1:
0x24: {  	p1 =	sgt.u32 s8, $0x29  }
0x25: {  	s17 =	sshrl.u32 @!p1 s12, $0x3  }
0x26: {  	s18 =	sshll.u32 @!p1 s11, $0x3;
	s17 =	smul.u32 @!p1 $0x1C00, s17  }
0x27: {  	s19 =	sshll.u32 @!p1 s12, $0x7;
	s18 =	sand.u32 @!p1 $0xFFFFFC00, s18  }
0x28: {  	s17 =	sadd.s32 @!p1 s17, s18;
	s18 =	sand.u32 @!p1 $0x380, s19  }
0x29: {  	s17 =	sor.u32 @!p1 s18, s17  }
0x2a: {  	s18 =	sshrl.u32 @!p1 s17, $0x7  }
0x2b: {  	s18 =	smulhi.u32 @!p1 $0x24924925, s18;
	_ =	sdelay $0x1  }
0x2c: {  	s19 =	smulhi.u32 @!p1 $0x555556, s18;
	_ =	sdelay $0x1  }
0x2d: {  	s20 =	sand.u32 @!p1 $0x7F, s11;
	s19 =	smul.u32 @!p1 $0x300, s19  }
0x2e: {  	s17 =	sor.u32 @!p1 s20, s17;
	s20 =	smul.u32 @!p1 $0x380, s18  }
0x2f: {  	s21 =	sxor.u32 @!p1 $0xFFFFFFFF, s8;
	s18 =	ssub.s32 @!p1 s18, s19;
	s19 =	smul.u32 @!p1 $0x15000, s13  }
0x30: {  	s21 =	sshll.u32 @!p1 s21, $0xE;
	s17 =	ssub.s32 @!p1 s17, s20;
	s18 =	smul.u32 @!p1 $0x70, s18  }
0x31: {  	s20 =	sand.u32 @!p1 $0x4000, s21;
	s21 =	sand.u32 @!p1 $0x7, s17;
	s19 =	sadd.s32 @!p1 s3, s19  }
0x32: {  	s17 =	sshrl.u32 @!p1 s17, $0x3;
	s18 =	sadd.s32 @!p1 s18, s19;
	s19 =	sshll.u32 @!p1 s21, $0x12  }
0x33: {  	s17 =	sadd.s32 @!p1 s17, s18;
	s18 =	sor.u32 @!p1 $0x400, s19;
	s19 =	simm.s32 @!p1 $0x1C00  }
0x34: {  	[tilespmem:s20], [sflag:$0x1] =	stream.strided.gather @!p1 [hbm4b:s17+s18], $0x4000, s19, s18, $0x38;
	[tilespmem:$0x10100] =	vst v63  }
0x35: {  	p1 =	seq.s32 s8, $0x0  }
0x36: {  	p2 =	seq.s32 @!p1 s8, $0x2B  }
0x37: {  	p1 =	por p1, p2  }
.Ltmp2:
0x38: {  	_ = 	snop;
	(pc) =	sbr.rel @p1 .LBB1_5-.Ltmp2, $1  }
0x39: {  	_ =	sdelay $0x3  }
0x3a: {  	s17 =	simm.s32 $0x1  }
0x3b: {  	_ =	swait.ge [sflag:s4], $0x4000;
	s17 =	simm.s32 @!p0 $0x0  }
0x3c: {  	[sflag:s4] =	ssyncset.done $0x0;
	s18 =	sshll.u32 s17, $0xE  }
0x3d: {  	[sflag:s4] =	ssyncadd.s32 $0xFFFFC000;
	s18 =	sor.u32 $0x40, s18  }
0x3e: {  	s17 =	smul.u32 $0x10200, s17;
	v0 =	vld [tilespmem:s18+$0x30]  }
0x3f: {  	v1 =	vld [tilespmem:s18+$0xFFFFFFD0]  }
0x40: {  	s17 =	sshrl.u32 s17, $0x2;
	v5 =	vld [tilespmem:s18+$0xFFFFFFE0]  }
0x41: {  	v6 =	vld [tilespmem:s18+$0xFFFFFFF0];
	s20 =	sor.u32 $0x8000, s17  }
0x42: {  	s31 =	sand.u32 $0x1, s8;
	v4 =	vld [tilespmem:s18+$0x0];
	s19 =	sadd.s32 $0x0, s20  }
0x43: {  	v3 =	vld [tilespmem:s18+$0x10];
	s17 =	smul.u32 $0x10200, s31;
	[tilespmem:s19+$0x3870 ss:$0x81] =	vst.msk $0xffff, v0  }
0x44: {  	v2 =	vld [tilespmem:s18+$0x20];
	[tilespmem:s19+$0x810 ss:$0x81] =	vst.msk $0xffff, v1  }
0x45: {  	s17 =	sshrl.u32 s17, $0x2;
	v1 =	vld [tilespmem:s18+$0xFFFFFFC0];
	[tilespmem:s19+$0x1020 ss:$0x81] =	vst.msk $0xffff, v5;
	s18 =	sadd.s32 $0x80, s18  }
0x46: {  	s21 =	simm.s32 $0x4;
	s22 =	simm.s32 $0x8;
	s17 =	sor.u32 $0x8000, s17;
	[tilespmem:s19+$0x1830 ss:$0x81] =	vst.msk $0xffff, v6;
	v0 =	vld [tilespmem:s18+$0x30]  }
.LBB1_3:
0x47: {  	p1 =	sne.s32 s22, $0x1FC;
	v5 =	vld [tilespmem:s18+$0xFFFFFFD0];
	[tilespmem:s19+$0x2040 ss:$0x81] =	vst.msk $0xffff, v4  }
0x48: {  	v6 =	vld [tilespmem:s18+$0xFFFFFFE0];
	[tilespmem:s19+$0x2850 ss:$0x81] =	vst.msk $0xffff, v3  }
0x49: {  	s23 =	sshra.s32 s21, $0x2;
	s21 =	smov.u32 s22;
	v7 =	vld [tilespmem:s18+$0xFFFFFFF0];
	[tilespmem:s19+$0x3060 ss:$0x81] =	vst.msk $0xffff, v2  }
.Ltmp3:
0x4a: {  	v4 =	vld [tilespmem:s18+$0x0];
	[tilespmem:s19+$0x0 ss:$0x81] =	vst.msk $0xffff, v1;
	s19 =	sadd.s32 s23, s20;
	(pc) =	sbr.rel @p1 .LBB1_3-.Ltmp3, $4  }
0x4b: {  	v3 =	vld [tilespmem:s18+$0x10];
	[tilespmem:s19+$0x3870 ss:$0x81] =	vst.msk $0xffff, v0  }
0x4c: {  	[tilespmem:s19+$0x810 ss:$0x81] =	vst.msk $0xffff, v5;
	v2 =	vld [tilespmem:s18+$0x20]  }
0x4d: {  	v1 =	vld [tilespmem:s18+$0xFFFFFFC0];
	[tilespmem:s19+$0x1020 ss:$0x81] =	vst.msk $0xffff, v6;
	s18 =	sadd.s32 $0x80, s18  }
0x4e: {  	s22 =	sadd.s32 $0x4, s22;
	v0 =	vld [tilespmem:s18+$0x30];
	[tilespmem:s19+$0x1830 ss:$0x81] =	vst.msk $0xffff, v7  }
0x4f: {  	s22 =	sshrl.u32 s10, $0x3;
	s23 =	sshll.u32 s9, $0x3  }
0x50: {  	s24 =	sshll.u32 s10, $0x7;
	s21 =	sshra.s32 s21, $0x2;
	s30 =	sand.u32 $0x7F, s9  }
0x51: {  	p1 =	sgt.s32 s7, $0x290;
	s25 =	sshra.s32 s10, $0x1F;
	s26 =	sshra.s32 s7, $0x1F  }
0x52: {  	s27 =	sshra.s32 s9, $0x1F;
	s22 =	smul.u32 $0x1800, s22;
	s23 =	sand.u32 $0xFFFFFC00, s23  }
0x53: {  	s29 =	sand.u32 $0x380, s24;
	s20 =	sadd.s32 s21, s20;
	s24 =	smov.u32 s10  }
0x54: {  	s25 =	sand.u32 s25, s10;
	s26 =	sand.u32 s26, s7;
	s22 =	sadd.s32 s22, s23  }
0x55: {  	s27 =	sand.u32 s27, s9;
	s23 =	smov.u32 s7;
	s22 =	sor.u32 s29, s22  }
0x56: {  	s23 =	simm.s32 @!p1 $0x290;
	p1 =	sgt.s32 s10, $0x1F;
	s21 =	sor.u32 s30, s22  }
0x57: {  	v5 =	vld [tilespmem:s18+$0xFFFFFFD0];
	[tilespmem:s19+$0x2040 ss:$0x81] =	vst.msk $0xffff, v4;
	s24 =	simm.s32 @!p1 $0x1F;
	p1 =	sgt.s32 s9, $0x280;
	s23 =	ssub.s32 s23, s26  }
0x58: {  	v58 =	vld [tilespmem:s18+$0xFFFFFFE0];
	[tilespmem:s19+$0x2850 ss:$0x81] =	vst.msk $0xffff, v3;
	s30 =	smulhi.u32 $0xAAAAAAAB, s22;
	s24 =	ssub.s32 s24, s25;
	s25 =	smov.u32 s9  }
0x59: {  	[tilespmem:s19+$0x3060 ss:$0x81] =	vst.msk $0xffff, v2;
	s28 =	smulhi.u32 $0xAAAAAAAB, s21;
	s26 =	sadd.s32 $0xFFFFFD70, s23;
	s25 =	simm.s32 @!p1 $0x280  }
0x5a: {  	v59 =	vld [tilespmem:s18+$0xFFFFFFF0];
	[tilespmem:s19+$0x0 ss:$0x81] =	vst.msk $0xffff, v1;
	s31 =	sadd.s32 $0xFFFFFFE1, s24;
	s22 =	ssub.s32 $0x20, s24;
	s19 =	sshrl.u32 s30, $0x9  }
0x5b: {  	v60 =	vld [tilespmem:s18+$0x0];
	s25 =	ssub.s32 s25, s27;
	p1 =	sgt.s32 s31, $0x0;
	s31 =	sshrl.u32 s28, $0x9  }
0x5c: {  	v61 =	vld [tilespmem:s18+$0x10];
	[tilespmem:s20+$0x3870 ss:$0x81] =	vst.msk $0xffff, v0;
	s19 =	sand.u32 $0x1F, s19;
	s27 =	smul.u32 $0xC00, s7;
	s29 =	sadd.s32 $0xFFFFFD80, s25  }
0x5d: {  	v62 =	vld [tilespmem:s18+$0x20];
	[tilespmem:s20+$0x810 ss:$0x81] =	vst.msk $0xffff, v5;
	s25 =	ssub.s32 $0x300, s25;
	s24 =	smul.u32 $0x300, s31;
	p2 =	sgt.s32 s29, $0x7F  }
0x5e: {  	v63 =	vld [tilespmem:s18+$0xFFFFFFC0];
	[tilespmem:s20+$0x1020 ss:$0x81] =	vst.msk $0xffff, v58;
	s22 =	simm.s32 @p1 $0x0;
	s18 =	smul.u32 $0x60, s19;
	s25 =	simm.s32 @p2 $0x0  }
0x5f: {  	[tilespmem:s20+$0x1830 ss:$0x81] =	vst.msk $0xffff, v59;
	p1 =	sgt.s32 s26, $0x7F;
	s25 =	smul.u32 s22, s25;
	s22 =	ssub.s32 $0x310, s23  }
.Ltmp4:
0x60: {  	[tilespmem:s20+$0x2040 ss:$0x81] =	vst.msk $0xffff, v60;
	s21 =	ssub.s32 s21, s24;
	s22 =	simm.s32 @p1 $0x0;
	(pc) =	sbr.rel .LBB1_5-.Ltmp4, $4  }
0x61: {  	[tilespmem:s20+$0x2850 ss:$0x81] =	vst.msk $0xffff, v61;
	s28 =	sadd.s32 s2, s27;
	s29 =	sand.u32 $0x7, s21;
	s19 =	smul.u32 s22, s25  }
0x62: {  	[tilespmem:s20+$0x3060 ss:$0x81] =	vst.msk $0xffff, v62;
	s18 =	sadd.s32 s18, s28;
	s21 =	sshrl.u32 s21, $0x3;
	s30 =	sshll.u32 s29, $0x12  }
0x63: {  	[tilespmem:s20+$0x0 ss:$0x81] =	vst.msk $0xffff, v63;
	s18 =	sadd.s32 s21, s18;
	s31 =	sor.u32 $0x80, s30;
	s19 =	sand.u32 $0x3FFFFFFF, s19  }
0x64: {  	[hbm4b:s18+s31] =	stream.strided.scatter [tilespmem:s17], [sflag:$0x2], s19, s6, s31, $0x20;
	[tilespmem:$0x10100] =	vst v63  }
.LBB1_6:
0x65: {  	_ =	sfence.sel $0x180000  }
0x66: {  	s2 =	simm.s32 $0x1;
	[bflag:$0x0] =	sbarrier.arrive $0xFFFF  }
0x67: {  	s31 =	simm.s32 $0x2;
	[sflag:s2] =	ssyncpa.u1 $0x1  }
0x68: {  	[sflag:s31] =	ssyncpa.u1 $0x1  }
0x69: {  	p0 =	sne.s32 s1, $0x0;
	_ =	strace $0x90000050  }
0x6a: {  	s0 =	sadd.s32 @!p0 $0x100000, s0;
	[bflag:$0x2] =	sbarrier.arrive $0xFFFF  }
0x6b: {  	[sflag:s0] =	ssyncadd.tile.s32 @!p0 $0x1;
	_ =	shalt  }
.Lfunc_end1:
_tile_overlayer_lowered:
.L_overlay_start_2:
0x6c: {  	(tag) =	ssettag $0x2  }
0x6d: {  	s0 =	rddreg [dreg:$0x0];
	s2 =	stileid.u32  }
0x6e: {  	s1 =	rddreg [dreg:$0x1];
	p0 =	sne.s32 s2, $0x0  }
0x6f: {  	s3 =	rddreg [dreg:$0x2];
	[bflag:$0x3] =	sbarrier.arrive $0xFFFF;
	s2 =	simm.s32 @!p0 $0x1C01  }
0x70: {  	[timem:s3], [sflag:s2] =	dma.local @!p0 [hbm:s0], s1  }
0x71: {  	s0 =	simm.s32 @!p0 $0x1  }
0x72: {  	_ =	swait.ge @!p0 [sflag:s0], s1  }
0x73: {  	s1 =	ssub.s32 @!p0 $0x0, s1;
	[sflag:s0] =	ssyncset.done @!p0 $0x0  }
0x74: {  	[sflag:s0] =	ssyncadd.s32 @!p0 s1  }
0x75: {  	[bflag:$0x3] =	sbarrier.arrive $0xFFFF  }
0x76: {  	_ =	shalt  }

</sc_bundles>
